<compile_context>
chip_gen: v7x
topology: tpu7x:2x2x1
jax: 0.10.2.dev20260603
libtpu: 0.0.44.dev20260713+nightly
codegen_flags: <defaults>
</compile_context>

<pallas_src>
import functools

import jax
import jax.numpy as jnp
from jax import lax
from jax.experimental import pallas as pl
from jax.experimental.pallas import tpu as pltpu
from jax.experimental.pallas import tpu_sc as plsc

NC = 2
NS = 16
L = 16

SLICE = 62464
MAINT = NS * SLICE
TAILW = 640


def _mesh():
    return plsc.VectorSubcoreMesh(
        core_axis_name="c", subcore_axis_name="s",
        num_cores=NC, num_subcores=NS)


@functools.lru_cache(maxsize=None)
def _build_main(B: int, D: int, V: int):
    d_per_sc = D // NC
    b_per_t = B // NS
    n_grp = b_per_t // L

    @functools.partial(
        pl.kernel,
        out_type=jax.ShapeDtypeStruct((NC, B), jnp.float32),
        mesh=_mesh(),
        scratch_types=[
            pltpu.VMEM_SHARED((MAINT,), jnp.float32),
            pltpu.VMEM((b_per_t,), jnp.int32),
            pltpu.VMEM((b_per_t,), jnp.int32),
            pltpu.VMEM((b_per_t,), jnp.int32),
            pltpu.VMEM((b_per_t,), jnp.int32),
            pltpu.VMEM((b_per_t,), jnp.float32),
            pltpu.VMEM((b_per_t,), jnp.float32),
            pltpu.VMEM((d_per_sc, TAILW), jnp.float32),
            pltpu.VMEM((b_per_t,), jnp.float32),
            pltpu.SemaphoreType.DMA,
            pltpu.SemaphoreType.DMA,
        ],
        compiler_params=pltpu.CompilerParams(needs_layout_passes=False),
    )
    def main_kernel(src_hbm, dst_hbm, tabT_hbm, tail_hbm, part_hbm,
                    shared, scl, dcl, stb, dtb,
                    svals, dvals, tail_v, acc, sem_s, sem_g):
        cid = lax.axis_index("c")
        tid = lax.axis_index("s")
        sc_d0 = cid * d_per_sc

        pltpu.sync_copy(src_hbm.at[pl.ds(tid * b_per_t, b_per_t)], scl)
        pltpu.sync_copy(dst_hbm.at[pl.ds(tid * b_per_t, b_per_t)], dcl)
        pltpu.sync_copy(tail_hbm.at[pl.ds(sc_d0, d_per_sc)], tail_v)

        zero16 = jnp.zeros((L,), jnp.float32)

        def prep(g, carry):
            sl = pl.ds(g * L, L)
            vs = scl[sl]
            vd = dcl[sl]
            stb[sl] = jnp.maximum(vs - (MAINT - 1), 0)
            dtb[sl] = jnp.maximum(vd - (MAINT - 1), 0)
            scl[sl] = jnp.minimum(vs, MAINT - 1)
            dcl[sl] = jnp.minimum(vd, MAINT - 1)
            acc[sl] = zero16
            return carry

        lax.fori_loop(0, n_grp, prep, 0)

        def fire_stage(j):
            d = sc_d0 + jnp.minimum(j, d_per_sc - 1)
            return pltpu.async_copy(
                tabT_hbm.at[d, pl.ds(tid * SLICE, SLICE)],
                shared.at[pl.ds(tid * SLICE, SLICE)], sem_s)

        def wait_stage():
            pltpu.make_async_copy(
                tabT_hbm.at[sc_d0, pl.ds(tid * SLICE, SLICE)],
                shared.at[pl.ds(tid * SLICE, SLICE)], sem_s).wait()

        fire_stage(0)

        def column(j, carry):
            wait_stage()
            plsc.subcore_barrier()
            cps = [pltpu.async_copy(shared.at[scl], svals, sem_g),
                   pltpu.async_copy(shared.at[dcl], dvals, sem_g)]
            for cp in cps:
                cp.wait()
            plsc.subcore_barrier()
            fire_stage(j + 1)

            dsplat = jnp.broadcast_to(j, (L,)).astype(jnp.int32)

            def group(g, c2):
                sl = pl.ds(g * L, L)
                sv = svals[sl]
                dv = dvals[sl]
                tbs = stb[sl]
                tbd = dtb[sl]
                ts = plsc.load_gather(
                    tail_v, [dsplat, jnp.maximum(tbs - 1, 0)])
                td = plsc.load_gather(
                    tail_v, [dsplat, jnp.maximum(tbd - 1, 0)])
                s_fin = jnp.where(tbs > 0, ts, sv)
                d_fin = jnp.where(tbd > 0, td, dv)
                df = s_fin - d_fin
                acc[sl] = acc[sl] + df * df
                return c2

            lax.fori_loop(0, n_grp, group, 0)
            return carry

        lax.fori_loop(0, d_per_sc, column, 0)
        wait_stage()

        pltpu.sync_copy(acc, part_hbm.at[cid, pl.ds(tid * b_per_t, b_per_t)])

    return main_kernel


@functools.lru_cache(maxsize=None)
def _build_combine(B: int):
    NW = NC * NS
    b_per_w = B // NW

    @functools.partial(
        pl.kernel,
        out_type=jax.ShapeDtypeStruct((B,), jnp.float32),
        mesh=_mesh(),
        scratch_types=[
            pltpu.VMEM((b_per_w,), jnp.float32),
            pltpu.VMEM((b_per_w,), jnp.float32),
            pltpu.VMEM((b_per_w,), jnp.float32),
        ],
        compiler_params=pltpu.CompilerParams(needs_layout_passes=False),
    )
    def combine_kernel(part_hbm, out_hbm, a0, a1, ob):
        wid = lax.axis_index("s") * NC + lax.axis_index("c")
        base = wid * b_per_w
        pltpu.sync_copy(part_hbm.at[0, pl.ds(base, b_per_w)], a0)
        pltpu.sync_copy(part_hbm.at[1, pl.ds(base, b_per_w)], a1)

        def group(i, carry):
            sl = pl.ds(i * L, L)
            x = a0[sl] + a1[sl] + jnp.float32(1e-12)
            iv = plsc.bitcast(x, jnp.int32)
            r = plsc.bitcast(jnp.int32(0x5F3759DF) - (iv >> 1), jnp.float32)
            half_x = jnp.float32(0.5) * x
            for _ in range(3):
                r = r * (jnp.float32(1.5) - half_x * r * r)
            ob[sl] = x * r
            return carry

        lax.fori_loop(0, b_per_w // L, group, 0)
        pltpu.sync_copy(ob, out_hbm.at[pl.ds(base, b_per_w)])

    return combine_kernel


def kernel(input_triplet, table):
    B = input_triplet.shape[0]
    V, D = table.shape
    src = input_triplet[:, 0].astype(jnp.int32)
    dst = input_triplet[:, 1].astype(jnp.int32)
    tabT = table.T
    tail = jnp.pad(table[MAINT:, :].T, ((0, 0), (0, TAILW - (V - MAINT))))
    part = _build_main(B, D, V)(src, dst, tabT, tail)
    return _build_combine(B)(part)

# --- scband reference (transcript-rebuilt; emitter-appended) ---
"""Pipeline reference for scband-dis-model-44899588113086 (READ-ONLY COPY).

The authoritative reference and input builder live on the scoring server;
editing this copy changes nothing except your own understanding.
"""

import jax, jax.numpy as jnp
import numpy as np

NUM_POINTS = 1000000
DIMS = 64
BATCH = 16384


def setup_inputs(seed: int = 0) -> dict:
    key = jax.random.key(seed)
    k1, k2 = jax.random.split(key)
    input_triplet = jax.random.randint(k1, (BATCH, 3), 0, NUM_POINTS, dtype=jnp.int64)
    # learned embedding table (Euclidean manifold embeddings)
    table = jax.random.normal(k2, (NUM_POINTS, DIMS), dtype=jnp.float32) * 0.01
    return {"input_triplet": input_triplet, "table": table}


def reference(input_triplet, table):
    src_index = input_triplet[:, 0]
    dst_index = input_triplet[:, 1]
    src_embeds = jnp.take(table, src_index, axis=0)
    dst_embeds = jnp.take(table, dst_index, axis=0)
    # Euclidean manifold distance
    diff = src_embeds - dst_embeds
    dist = jnp.sqrt(jnp.sum(diff * diff, axis=-1) + 1e-12)
    return dist

if __name__ == "__main__":
    import jax
    _d = setup_inputs()
    print(jax.jit(kernel)(*tuple(_d.values())))

</pallas_src>

<mosaic_0001>
#map = affine_map<(d0, d1) -> (0)>
#map1 = affine_map<(d0, d1) -> (0, 0)>
module attributes {stable_mosaic.version = 14 : i64} {
  func.func @main_kernel(%arg0: i32, %arg1: i32, %arg2: memref<16384xi32, #tpu.memory_space<hbm>>, %arg3: memref<16384xi32, #tpu.memory_space<hbm>>, %arg4: memref<64x1000000xf32, #tpu.memory_space<hbm>>, %arg5: memref<64x640xf32, #tpu.memory_space<hbm>>, %arg6: memref<2x16384xf32, #tpu.memory_space<hbm>>, %arg7: memref<999424xf32, #tpu.memory_space<vmem_shared>>, %arg8: memref<1024xi32, #tpu.memory_space<vmem>>, %arg9: memref<1024xi32, #tpu.memory_space<vmem>>, %arg10: memref<1024xi32, #tpu.memory_space<vmem>>, %arg11: memref<1024xi32, #tpu.memory_space<vmem>>, %arg12: memref<1024xf32, #tpu.memory_space<vmem>>, %arg13: memref<1024xf32, #tpu.memory_space<vmem>>, %arg14: memref<32x640xf32, #tpu.memory_space<vmem>>, %arg15: memref<1024xf32, #tpu.memory_space<vmem>>, %arg16: memref<!tpu.dma_semaphore, #tpu.memory_space<semaphore_mem>>, %arg17: memref<!tpu.dma_semaphore, #tpu.memory_space<semaphore_mem>>) attributes {dimension_semantics = [#tpu.dimension_semantics<core_parallel>, #tpu.dimension_semantics<subcore_parallel>], iteration_bounds = array<i64: 2, 16>, scalar_prefetch = 0 : i64, scratch_operands = 11 : i64, tpu.core_type = #tpu.core_type<sc_vector_subcore>, window_params = [{transform_indices = #map}, {transform_indices = #map}, {transform_indices = #map1}, {transform_indices = #map1}, {transform_indices = #map1}]} {
    %mul3A = arith.constant 32 : i32
    %mul3A_0 = arith.muli %arg0, %mul3A : i32
    %mul3A_1 = arith.constant 1024 : i32
    %mul3A_2 = arith.muli %arg1, %mul3A_1 : i32
    "tpu.region"() ({
      %run_scoped3A = tpu.sem_alloc : memref<!tpu.dma_semaphore, #tpu.memory_space<semaphore_mem>>
      %dma_start3A_33 = tpu.memref_slice %arg2[%mul3A_2] : memref<16384xi32, #tpu.memory_space<hbm>> -> memref<1024xi32, #tpu.memory_space<hbm>>
      %dma_start3A_34 = tpu.memref_slice %arg2[%mul3A_2] : memref<16384xi32, #tpu.memory_space<hbm>> -> memref<1024xi32, #tpu.memory_space<hbm>>
      tpu.enqueue_dma source(%dma_start3A_34 : memref<1024xi32, #tpu.memory_space<hbm>>) target(%arg8 : memref<1024xi32, #tpu.memory_space<vmem>>) target_semaphore(%run_scoped3A : memref<!tpu.dma_semaphore, #tpu.memory_space<semaphore_mem>>)
      %dma_wait3A_35 = tpu.memref_slice %arg2[%mul3A_2] : memref<16384xi32, #tpu.memory_space<hbm>> -> memref<1024xi32, #tpu.memory_space<hbm>>
      %dma_wait3A_36 = tpu.memref_slice %arg2[%mul3A_2] : memref<16384xi32, #tpu.memory_space<hbm>> -> memref<1024xi32, #tpu.memory_space<hbm>>
      tpu.wait_dma2 semaphore(%run_scoped3A : memref<!tpu.dma_semaphore, #tpu.memory_space<semaphore_mem>>) src(%dma_wait3A_36 : memref<1024xi32, #tpu.memory_space<hbm>>) dst(%arg8 : memref<1024xi32, #tpu.memory_space<vmem>>)
      tpu.yield
    }) : () -> ()
    %mul3A_3 = arith.constant 1024 : i32
    %mul3A_4 = arith.muli %arg1, %mul3A_3 : i32
    "tpu.region"() ({
      %run_scoped3A = tpu.sem_alloc : memref<!tpu.dma_semaphore, #tpu.memory_space<semaphore_mem>>
      %dma_start3A_33 = tpu.memref_slice %arg3[%mul3A_4] : memref<16384xi32, #tpu.memory_space<hbm>> -> memref<1024xi32, #tpu.memory_space<hbm>>
      %dma_start3A_34 = tpu.memref_slice %arg3[%mul3A_4] : memref<16384xi32, #tpu.memory_space<hbm>> -> memref<1024xi32, #tpu.memory_space<hbm>>
      tpu.enqueue_dma source(%dma_start3A_34 : memref<1024xi32, #tpu.memory_space<hbm>>) target(%arg9 : memref<1024xi32, #tpu.memory_space<vmem>>) target_semaphore(%run_scoped3A : memref<!tpu.dma_semaphore, #tpu.memory_space<semaphore_mem>>)
      %dma_wait3A_35 = tpu.memref_slice %arg3[%mul3A_4] : memref<16384xi32, #tpu.memory_space<hbm>> -> memref<1024xi32, #tpu.memory_space<hbm>>
      %dma_wait3A_36 = tpu.memref_slice %arg3[%mul3A_4] : memref<16384xi32, #tpu.memory_space<hbm>> -> memref<1024xi32, #tpu.memory_space<hbm>>
      tpu.wait_dma2 semaphore(%run_scoped3A : memref<!tpu.dma_semaphore, #tpu.memory_space<semaphore_mem>>) src(%dma_wait3A_36 : memref<1024xi32, #tpu.memory_space<hbm>>) dst(%arg9 : memref<1024xi32, #tpu.memory_space<vmem>>)
      tpu.yield
    }) : () -> ()
    "tpu.region"() ({
      %run_scoped3A = tpu.sem_alloc : memref<!tpu.dma_semaphore, #tpu.memory_space<semaphore_mem>>
      %dma_start3A_33 = arith.constant 0 : i32
      %dma_start3A_34 = tpu.memref_slice %arg5[%mul3A_0, %dma_start3A_33] : memref<64x640xf32, #tpu.memory_space<hbm>> -> memref<32x640xf32, #tpu.memory_space<hbm>>
      %dma_start3A_35 = arith.constant 0 : i32
      %dma_start3A_36 = tpu.memref_slice %arg5[%mul3A_0, %dma_start3A_35] : memref<64x640xf32, #tpu.memory_space<hbm>> -> memref<32x640xf32, #tpu.memory_space<hbm>>
      tpu.enqueue_dma source(%dma_start3A_36 : memref<32x640xf32, #tpu.memory_space<hbm>>) target(%arg14 : memref<32x640xf32, #tpu.memory_space<vmem>>) target_semaphore(%run_scoped3A : memref<!tpu.dma_semaphore, #tpu.memory_space<semaphore_mem>>)
      %dma_wait3A_37 = arith.constant 0 : i32
      %dma_wait3A_38 = tpu.memref_slice %arg5[%mul3A_0, %dma_wait3A_37] : memref<64x640xf32, #tpu.memory_space<hbm>> -> memref<32x640xf32, #tpu.memory_space<hbm>>
      %dma_wait3A_39 = arith.constant 0 : i32
      %dma_wait3A_40 = tpu.memref_slice %arg5[%mul3A_0, %dma_wait3A_39] : memref<64x640xf32, #tpu.memory_space<hbm>> -> memref<32x640xf32, #tpu.memory_space<hbm>>
      tpu.wait_dma2 semaphore(%run_scoped3A : memref<!tpu.dma_semaphore, #tpu.memory_space<semaphore_mem>>) src(%dma_wait3A_40 : memref<32x640xf32, #tpu.memory_space<hbm>>) dst(%arg14 : memref<32x640xf32, #tpu.memory_space<vmem>>)
      tpu.yield
    }) : () -> ()
    %broadcast_in_dim3A = arith.constant 0.000000e+00 : f32
    %broadcast_in_dim3A_5 = vector.broadcast %broadcast_in_dim3A : f32 to vector<16xf32>
    %scan3A = arith.constant 0 : i32
    %scan3A_6 = arith.constant 0 : i32
    %scan3A_7 = arith.constant 64 : i32
    %scan3A_8 = arith.addi %scan3A_6, %scan3A_7 : i32
    %scan3A_9 = arith.constant 1 : i32
    scf.for %scan3A_33 = %scan3A_6 to %scan3A_8 step %scan3A_9  : i32 {
      %mul3A_34 = arith.constant 16 : i32
      %mul3A_35 = arith.muli %scan3A_33, %mul3A_34 : i32
      %get3A = arith.index_cast %mul3A_35 : i32 to index
      %get3A_36 = tpu.vector_load %arg8[%get3A] {strides = array<i32>} : memref<1024xi32, #tpu.memory_space<vmem>>, vector<16xi32>,
      %get3A_37 = arith.index_cast %mul3A_35 : i32 to index
      %get3A_38 = tpu.vector_load %arg9[%get3A_37] {strides = array<i32>} : memref<1024xi32, #tpu.memory_space<vmem>>, vector<16xi32>,
      %sub3A = arith.constant 999423 : i32
      %sub3A_39 = vector.broadcast %sub3A : i32 to vector<16xi32>
      %sub3A_40 = arith.subi %get3A_36, %sub3A_39 : vector<16xi32>
      %max3A = arith.constant 0 : i32
      %max3A_41 = vector.broadcast %max3A : i32 to vector<16xi32>
      %max3A_42 = arith.maxsi %sub3A_40, %max3A_41 : vector<16xi32>
      %swap3A = arith.index_cast %mul3A_35 : i32 to index
      %swap3A_43 = tpu.vector_load %arg10[%swap3A] {strides = array<i32>} : memref<1024xi32, #tpu.memory_space<vmem>>, vector<16xi32>,
      tpu.vector_store %arg10[%swap3A], %max3A_42 {strides = array<i32>} : memref<1024xi32, #tpu.memory_space<vmem>>, vector<16xi32>,
      %sub3A_44 = arith.constant 999423 : i32
      %sub3A_45 = vector.broadcast %sub3A_44 : i32 to vector<16xi32>
      %sub3A_46 = arith.subi %get3A_38, %sub3A_45 : vector<16xi32>
      %max3A_47 = arith.constant 0 : i32
      %max3A_48 = vector.broadcast %max3A_47 : i32 to vector<16xi32>
      %max3A_49 = arith.maxsi %sub3A_46, %max3A_48 : vector<16xi32>
      %swap3A_50 = arith.index_cast %mul3A_35 : i32 to index
      %swap3A_51 = tpu.vector_load %arg11[%swap3A_50] {strides = array<i32>} : memref<1024xi32, #tpu.memory_space<vmem>>, vector<16xi32>,
      tpu.vector_store %arg11[%swap3A_50], %max3A_49 {strides = array<i32>} : memref<1024xi32, #tpu.memory_space<vmem>>, vector<16xi32>,
      %min3A_52 = arith.constant 999423 : i32
      %min3A_53 = vector.broadcast %min3A_52 : i32 to vector<16xi32>
      %min3A_54 = arith.minsi %get3A_36, %min3A_53 : vector<16xi32>
      %swap3A_55 = arith.index_cast %mul3A_35 : i32 to index
      %swap3A_56 = tpu.vector_load %arg8[%swap3A_55] {strides = array<i32>} : memref<1024xi32, #tpu.memory_space<vmem>>, vector<16xi32>,
      tpu.vector_store %arg8[%swap3A_55], %min3A_54 {strides = array<i32>} : memref<1024xi32, #tpu.memory_space<vmem>>, vector<16xi32>,
      %min3A_57 = arith.constant 999423 : i32
      %min3A_58 = vector.broadcast %min3A_57 : i32 to vector<16xi32>
      %min3A_59 = arith.minsi %get3A_38, %min3A_58 : vector<16xi32>
      %swap3A_60 = arith.index_cast %mul3A_35 : i32 to index
      %swap3A_61 = tpu.vector_load %arg9[%swap3A_60] {strides = array<i32>} : memref<1024xi32, #tpu.memory_space<vmem>>, vector<16xi32>,
      tpu.vector_store %arg9[%swap3A_60], %min3A_59 {strides = array<i32>} : memref<1024xi32, #tpu.memory_space<vmem>>, vector<16xi32>,
      %swap3A_62 = arith.index_cast %mul3A_35 : i32 to index
      %swap3A_63 = tpu.vector_load %arg15[%swap3A_62] {strides = array<i32>} : memref<1024xf32, #tpu.memory_space<vmem>>, vector<16xf32>,
      tpu.vector_store %arg15[%swap3A_62], %broadcast_in_dim3A_5 {strides = array<i32>} : memref<1024xf32, #tpu.memory_space<vmem>>, vector<16xf32>,
    }
    %scan3A_10 = arith.constant 64 : i32
    %min3A = arith.constant 0 : i32
    %min3A_11 = arith.constant 31 : i32
    %min3A_12 = arith.minsi %min3A, %min3A_11 : i32
    %add3A = arith.addi %mul3A_0, %min3A_12 : i32
    %mul3A_13 = arith.constant 62464 : i32
    %mul3A_14 = arith.muli %arg1, %mul3A_13 : i32
    %mul3A_15 = arith.constant 62464 : i32
    %mul3A_16 = arith.muli %arg1, %mul3A_15 : i32
    %dma_start3A = tpu.memref_slice %arg7[%mul3A_16] : memref<999424xf32, #tpu.memory_space<vmem_shared>> -> memref<62464xf32, #tpu.memory_space<vmem_shared>>
    %dma_start3A_17 = tpu.memref_slice %arg4[%add3A, %mul3A_14] : memref<64x1000000xf32, #tpu.memory_space<hbm>> -> memref<1x62464xf32, #tpu.memory_space<hbm>>
    %dma_start3A_18 = tpu.memref_squeeze %dma_start3A_17 : memref<1x62464xf32, #tpu.memory_space<hbm>> -> memref<62464xf32, #tpu.memory_space<hbm>>
    tpu.enqueue_dma source(%dma_start3A_18 : memref<62464xf32, #tpu.memory_space<hbm>>) target(%dma_start3A : memref<62464xf32, #tpu.memory_space<vmem_shared>>) target_semaphore(%arg16 : memref<!tpu.dma_semaphore, #tpu.memory_space<semaphore_mem>>)
    %scan3A_19 = arith.constant 0 : i32
    %scan3A_20 = arith.constant 0 : i32
    %scan3A_21 = arith.constant 32 : i32
    %scan3A_22 = arith.addi %scan3A_20, %scan3A_21 : i32
    %scan3A_23 = arith.constant 1 : i32
    scf.for %scan3A_33 = %scan3A_20 to %scan3A_22 step %scan3A_23  : i32 {
      %mul3A_34 = arith.constant 62464 : i32
      %mul3A_35 = arith.muli %arg1, %mul3A_34 : i32
      %mul3A_36 = arith.constant 62464 : i32
      %mul3A_37 = arith.muli %arg1, %mul3A_36 : i32
      %dma_wait3A_38 = tpu.memref_slice %arg7[%mul3A_37] : memref<999424xf32, #tpu.memory_space<vmem_shared>> -> memref<62464xf32, #tpu.memory_space<vmem_shared>>
      %dma_wait3A_39 = tpu.memref_slice %arg4[%mul3A_0, %mul3A_35] : memref<64x1000000xf32, #tpu.memory_space<hbm>> -> memref<1x62464xf32, #tpu.memory_space<hbm>>
      %dma_wait3A_40 = tpu.memref_squeeze %dma_wait3A_39 : memref<1x62464xf32, #tpu.memory_space<hbm>> -> memref<62464xf32, #tpu.memory_space<hbm>>
      tpu.wait_dma2 semaphore(%arg16 : memref<!tpu.dma_semaphore, #tpu.memory_space<semaphore_mem>>) src(%dma_wait3A_40 : memref<62464xf32, #tpu.memory_space<hbm>>) dst(%dma_wait3A_38 : memref<62464xf32, #tpu.memory_space<vmem_shared>>)
      %barrier3A = arith.constant 0 : index
      tpu.barrier barrier_id(%barrier3A)
      %dma_start3A_41 = arith.constant 0 : i32
      %dma_start3A_42 = tpu.memref_slice %arg7[%dma_start3A_41] : memref<999424xf32, #tpu.memory_space<vmem_shared>> -> memref<999424xf32, #tpu.memory_space<vmem_shared>>
      tpu.enqueue_indirect_dma source(%dma_start3A_42 : memref<999424xf32, #tpu.memory_space<vmem_shared>>) target(%arg12 : memref<1024xf32, #tpu.memory_space<vmem>>) offsets(%arg8 : memref<1024xi32, #tpu.memory_space<vmem>>) semaphore(%arg17 : memref<!tpu.dma_semaphore, #tpu.memory_space<semaphore_mem>>)
      %dma_start3A_43 = arith.constant 0 : i32
      %dma_start3A_44 = tpu.memref_slice %arg7[%dma_start3A_43] : memref<999424xf32, #tpu.memory_space<vmem_shared>> -> memref<999424xf32, #tpu.memory_space<vmem_shared>>
      tpu.enqueue_indirect_dma source(%dma_start3A_44 : memref<999424xf32, #tpu.memory_space<vmem_shared>>) target(%arg13 : memref<1024xf32, #tpu.memory_space<vmem>>) offsets(%arg9 : memref<1024xi32, #tpu.memory_space<vmem>>) semaphore(%arg17 : memref<!tpu.dma_semaphore, #tpu.memory_space<semaphore_mem>>)
      %dma_wait3A_45 = arith.constant 0 : i32
      %dma_wait3A_46 = tpu.memref_slice %arg7[%dma_wait3A_45] : memref<999424xf32, #tpu.memory_space<vmem_shared>> -> memref<999424xf32, #tpu.memory_space<vmem_shared>>
      tpu.wait_indirect_dma semaphore(%arg17 : memref<!tpu.dma_semaphore, #tpu.memory_space<semaphore_mem>>) src(%dma_wait3A_46 : memref<999424xf32, #tpu.memory_space<vmem_shared>>) dst(%arg12 : memref<1024xf32, #tpu.memory_space<vmem>>)
      %dma_wait3A_47 = arith.constant 0 : i32
      %dma_wait3A_48 = tpu.memref_slice %arg7[%dma_wait3A_47] : memref<999424xf32, #tpu.memory_space<vmem_shared>> -> memref<999424xf32, #tpu.memory_space<vmem_shared>>
      tpu.wait_indirect_dma semaphore(%arg17 : memref<!tpu.dma_semaphore, #tpu.memory_space<semaphore_mem>>) src(%dma_wait3A_48 : memref<999424xf32, #tpu.memory_space<vmem_shared>>) dst(%arg13 : memref<1024xf32, #tpu.memory_space<vmem>>)
      %barrier3A_49 = arith.constant 0 : index
      tpu.barrier barrier_id(%barrier3A_49)
      %add3A_50 = arith.constant 1 : i32
      %add3A_51 = arith.addi %scan3A_33, %add3A_50 : i32
      %min3A_52 = arith.constant 31 : i32
      %min3A_53 = arith.minsi %add3A_51, %min3A_52 : i32
      %add3A_54 = arith.addi %mul3A_0, %min3A_53 : i32
      %mul3A_55 = arith.constant 62464 : i32
      %mul3A_56 = arith.muli %arg1, %mul3A_55 : i32
      %mul3A_57 = arith.constant 62464 : i32
      %mul3A_58 = arith.muli %arg1, %mul3A_57 : i32
      %dma_start3A_59 = tpu.memref_slice %arg7[%mul3A_58] : memref<999424xf32, #tpu.memory_space<vmem_shared>> -> memref<62464xf32, #tpu.memory_space<vmem_shared>>
      %dma_start3A_60 = tpu.memref_slice %arg4[%add3A_54, %mul3A_56] : memref<64x1000000xf32, #tpu.memory_space<hbm>> -> memref<1x62464xf32, #tpu.memory_space<hbm>>
      %dma_start3A_61 = tpu.memref_squeeze %dma_start3A_60 : memref<1x62464xf32, #tpu.memory_space<hbm>> -> memref<62464xf32, #tpu.memory_space<hbm>>
      tpu.enqueue_dma source(%dma_start3A_61 : memref<62464xf32, #tpu.memory_space<hbm>>) target(%dma_start3A_59 : memref<62464xf32, #tpu.memory_space<vmem_shared>>) target_semaphore(%arg16 : memref<!tpu.dma_semaphore, #tpu.memory_space<semaphore_mem>>)
      %broadcast_in_dim3A_62 = vector.broadcast %scan3A_33 : i32 to vector<16xi32>
      %scan3A_63 = arith.constant 0 : i32
      %scan3A_64 = arith.constant 0 : i32
      %scan3A_65 = arith.constant 64 : i32
      %scan3A_66 = arith.addi %scan3A_64, %scan3A_65 : i32
      %scan3A_67 = arith.constant 1 : i32
      scf.for %scan3A_69 = %scan3A_64 to %scan3A_66 step %scan3A_67  : i32 {
        %mul3A_70 = arith.constant 16 : i32
        %mul3A_71 = arith.muli %scan3A_69, %mul3A_70 : i32
        %get3A = arith.index_cast %mul3A_71 : i32 to index
        %get3A_72 = tpu.vector_load %arg12[%get3A] {strides = array<i32>} : memref<1024xf32, #tpu.memory_space<vmem>>, vector<16xf32>,
        %get3A_73 = arith.index_cast %mul3A_71 : i32 to index
        %get3A_74 = tpu.vector_load %arg13[%get3A_73] {strides = array<i32>} : memref<1024xf32, #tpu.memory_space<vmem>>, vector<16xf32>,
        %get3A_75 = arith.index_cast %mul3A_71 : i32 to index
        %get3A_76 = tpu.vector_load %arg10[%get3A_75] {strides = array<i32>} : memref<1024xi32, #tpu.memory_space<vmem>>, vector<16xi32>,
        %get3A_77 = arith.index_cast %mul3A_71 : i32 to index
        %get3A_78 = tpu.vector_load %arg11[%get3A_77] {strides = array<i32>} : memref<1024xi32, #tpu.memory_space<vmem>>, vector<16xi32>,
        %sub3A = arith.constant 1 : i32
        %sub3A_79 = vector.broadcast %sub3A : i32 to vector<16xi32>
        %sub3A_80 = arith.subi %get3A_76, %sub3A_79 : vector<16xi32>
        %max3A = arith.constant 0 : i32
        %max3A_81 = vector.broadcast %max3A : i32 to vector<16xi32>
        %max3A_82 = arith.maxsi %sub3A_80, %max3A_81 : vector<16xi32>
        %gather3A = tpu.vector_load_idx %arg14[%broadcast_in_dim3A_62, %max3A_82] : memref<32x640xf32, #tpu.memory_space<vmem>>[vector<16xi32>, vector<16xi32>], vector<16xf32>,
        %sub3A_83 = arith.constant 1 : i32
        %sub3A_84 = vector.broadcast %sub3A_83 : i32 to vector<16xi32>
        %sub3A_85 = arith.subi %get3A_78, %sub3A_84 : vector<16xi32>
        %max3A_86 = arith.constant 0 : i32
        %max3A_87 = vector.broadcast %max3A_86 : i32 to vector<16xi32>
        %max3A_88 = arith.maxsi %sub3A_85, %max3A_87 : vector<16xi32>
        %gather3A_89 = tpu.vector_load_idx %arg14[%broadcast_in_dim3A_62, %max3A_88] : memref<32x640xf32, #tpu.memory_space<vmem>>[vector<16xi32>, vector<16xi32>], vector<16xf32>,
        %gt3A = arith.constant 0 : i32
        %gt3A_90 = vector.broadcast %gt3A : i32 to vector<16xi32>
        %gt3A_91 = arith.cmpi sgt, %get3A_76, %gt3A_90 : vector<16xi32>
        %select_n3A = arith.select %gt3A_91, %gather3A, %get3A_72 : vector<16xi1>, vector<16xf32>
        %gt3A_92 = arith.constant 0 : i32
        %gt3A_93 = vector.broadcast %gt3A_92 : i32 to vector<16xi32>
        %gt3A_94 = arith.cmpi sgt, %get3A_78, %gt3A_93 : vector<16xi32>
        %select_n3A_95 = arith.select %gt3A_94, %gather3A_89, %get3A_74 : vector<16xi1>, vector<16xf32>
        %sub3A_96 = arith.subf %select_n3A, %select_n3A_95 : vector<16xf32>
        %get3A_97 = arith.index_cast %mul3A_71 : i32 to index
        %get3A_98 = tpu.vector_load %arg15[%get3A_97] {strides = array<i32>} : memref<1024xf32, #tpu.memory_space<vmem>>, vector<16xf32>,
        %mul3A_99 = arith.mulf %sub3A_96, %sub3A_96 : vector<16xf32>
        %add3A_100 = arith.addf %get3A_98, %mul3A_99 : vector<16xf32>
        %swap3A = arith.index_cast %mul3A_71 : i32 to index
        %swap3A_101 = tpu.vector_load %arg15[%swap3A] {strides = array<i32>} : memref<1024xf32, #tpu.memory_space<vmem>>, vector<16xf32>,
        tpu.vector_store %arg15[%swap3A], %add3A_100 {strides = array<i32>} : memref<1024xf32, #tpu.memory_space<vmem>>, vector<16xf32>,
      }
      %scan3A_68 = arith.constant 64 : i32
    }
    %scan3A_24 = arith.constant 32 : i32
    %mul3A_25 = arith.constant 62464 : i32
    %mul3A_26 = arith.muli %arg1, %mul3A_25 : i32
    %mul3A_27 = arith.constant 62464 : i32
    %mul3A_28 = arith.muli %arg1, %mul3A_27 : i32
    %dma_wait3A = tpu.memref_slice %arg7[%mul3A_28] : memref<999424xf32, #tpu.memory_space<vmem_shared>> -> memref<62464xf32, #tpu.memory_space<vmem_shared>>
    %dma_wait3A_29 = tpu.memref_slice %arg4[%mul3A_0, %mul3A_26] : memref<64x1000000xf32, #tpu.memory_space<hbm>> -> memref<1x62464xf32, #tpu.memory_space<hbm>>
    %dma_wait3A_30 = tpu.memref_squeeze %dma_wait3A_29 : memref<1x62464xf32, #tpu.memory_space<hbm>> -> memref<62464xf32, #tpu.memory_space<hbm>>
    tpu.wait_dma2 semaphore(%arg16 : memref<!tpu.dma_semaphore, #tpu.memory_space<semaphore_mem>>) src(%dma_wait3A_30 : memref<62464xf32, #tpu.memory_space<hbm>>) dst(%dma_wait3A : memref<62464xf32, #tpu.memory_space<vmem_shared>>)
    %mul3A_31 = arith.constant 1024 : i32
    %mul3A_32 = arith.muli %arg1, %mul3A_31 : i32
    "tpu.region"() ({
      %run_scoped3A = tpu.sem_alloc : memref<!tpu.dma_semaphore, #tpu.memory_space<semaphore_mem>>
      %dma_start3A_33 = tpu.memref_slice %arg6[%arg0, %mul3A_32] : memref<2x16384xf32, #tpu.memory_space<hbm>> -> memref<1x1024xf32, #tpu.memory_space<hbm>>
      %dma_start3A_34 = tpu.memref_squeeze %dma_start3A_33 : memref<1x1024xf32, #tpu.memory_space<hbm>> -> memref<1024xf32, #tpu.memory_space<hbm>>
      %dma_start3A_35 = tpu.memref_slice %arg6[%arg0, %mul3A_32] : memref<2x16384xf32, #tpu.memory_space<hbm>> -> memref<1x1024xf32, #tpu.memory_space<hbm>>
      %dma_start3A_36 = tpu.memref_squeeze %dma_start3A_35 : memref<1x1024xf32, #tpu.memory_space<hbm>> -> memref<1024xf32, #tpu.memory_space<hbm>>
      tpu.enqueue_dma source(%arg15 : memref<1024xf32, #tpu.memory_space<vmem>>) target(%dma_start3A_36 : memref<1024xf32, #tpu.memory_space<hbm>>) target_semaphore(%run_scoped3A : memref<!tpu.dma_semaphore, #tpu.memory_space<semaphore_mem>>)
      %dma_wait3A_37 = tpu.memref_slice %arg6[%arg0, %mul3A_32] : memref<2x16384xf32, #tpu.memory_space<hbm>> -> memref<1x1024xf32, #tpu.memory_space<hbm>>
      %dma_wait3A_38 = tpu.memref_squeeze %dma_wait3A_37 : memref<1x1024xf32, #tpu.memory_space<hbm>> -> memref<1024xf32, #tpu.memory_space<hbm>>
      %dma_wait3A_39 = tpu.memref_slice %arg6[%arg0, %mul3A_32] : memref<2x16384xf32, #tpu.memory_space<hbm>> -> memref<1x1024xf32, #tpu.memory_space<hbm>>
      %dma_wait3A_40 = tpu.memref_squeeze %dma_wait3A_39 : memref<1x1024xf32, #tpu.memory_space<hbm>> -> memref<1024xf32, #tpu.memory_space<hbm>>
      tpu.wait_dma2 semaphore(%run_scoped3A : memref<!tpu.dma_semaphore, #tpu.memory_space<semaphore_mem>>) src(%arg15 : memref<1024xf32, #tpu.memory_space<vmem>>) dst(%dma_wait3A_40 : memref<1024xf32, #tpu.memory_space<hbm>>)
      tpu.yield
    }) : () -> ()
    return
  }
}

#map = affine_map<(d0, d1) -> (0, 0)>
#map1 = affine_map<(d0, d1) -> (0)>
module attributes {stable_mosaic.version = 14 : i64} {
  func.func @combine_kernel(%arg0: i32, %arg1: i32, %arg2: memref<2x16384xf32, #tpu.memory_space<hbm>>, %arg3: memref<16384xf32, #tpu.memory_space<hbm>>, %arg4: memref<512xf32, #tpu.memory_space<vmem>>, %arg5: memref<512xf32, #tpu.memory_space<vmem>>, %arg6: memref<512xf32, #tpu.memory_space<vmem>>) attributes {dimension_semantics = [#tpu.dimension_semantics<core_parallel>, #tpu.dimension_semantics<subcore_parallel>], iteration_bounds = array<i64: 2, 16>, scalar_prefetch = 0 : i64, scratch_operands = 3 : i64, tpu.core_type = #tpu.core_type<sc_vector_subcore>, window_params = [{transform_indices = #map}, {transform_indices = #map1}]} {
    %mul3A = arith.constant 2 : i32
    %mul3A_0 = arith.muli %arg1, %mul3A : i32
    %add3A = arith.addi %mul3A_0, %arg0 : i32
    %mul3A_1 = arith.constant 512 : i32
    %mul3A_2 = arith.muli %add3A, %mul3A_1 : i32
    %run_scoped3A = arith.constant 0 : i32
    "tpu.region"() ({
      %run_scoped3A_9 = tpu.sem_alloc : memref<!tpu.dma_semaphore, #tpu.memory_space<semaphore_mem>>
      %dma_start3A = tpu.memref_slice %arg2[%run_scoped3A, %mul3A_2] : memref<2x16384xf32, #tpu.memory_space<hbm>> -> memref<1x512xf32, #tpu.memory_space<hbm>>
      %dma_start3A_10 = tpu.memref_squeeze %dma_start3A : memref<1x512xf32, #tpu.memory_space<hbm>> -> memref<512xf32, #tpu.memory_space<hbm>>
      %dma_start3A_11 = tpu.memref_slice %arg2[%run_scoped3A, %mul3A_2] : memref<2x16384xf32, #tpu.memory_space<hbm>> -> memref<1x512xf32, #tpu.memory_space<hbm>>
      %dma_start3A_12 = tpu.memref_squeeze %dma_start3A_11 : memref<1x512xf32, #tpu.memory_space<hbm>> -> memref<512xf32, #tpu.memory_space<hbm>>
      tpu.enqueue_dma source(%dma_start3A_12 : memref<512xf32, #tpu.memory_space<hbm>>) target(%arg4 : memref<512xf32, #tpu.memory_space<vmem>>) target_semaphore(%run_scoped3A_9 : memref<!tpu.dma_semaphore, #tpu.memory_space<semaphore_mem>>)
      %dma_wait3A = tpu.memref_slice %arg2[%run_scoped3A, %mul3A_2] : memref<2x16384xf32, #tpu.memory_space<hbm>> -> memref<1x512xf32, #tpu.memory_space<hbm>>
      %dma_wait3A_13 = tpu.memref_squeeze %dma_wait3A : memref<1x512xf32, #tpu.memory_space<hbm>> -> memref<512xf32, #tpu.memory_space<hbm>>
      %dma_wait3A_14 = tpu.memref_slice %arg2[%run_scoped3A, %mul3A_2] : memref<2x16384xf32, #tpu.memory_space<hbm>> -> memref<1x512xf32, #tpu.memory_space<hbm>>
      %dma_wait3A_15 = tpu.memref_squeeze %dma_wait3A_14 : memref<1x512xf32, #tpu.memory_space<hbm>> -> memref<512xf32, #tpu.memory_space<hbm>>
      tpu.wait_dma2 semaphore(%run_scoped3A_9 : memref<!tpu.dma_semaphore, #tpu.memory_space<semaphore_mem>>) src(%dma_wait3A_15 : memref<512xf32, #tpu.memory_space<hbm>>) dst(%arg4 : memref<512xf32, #tpu.memory_space<vmem>>)
      tpu.yield
    }) : () -> ()
    %run_scoped3A_3 = arith.constant 1 : i32
    "tpu.region"() ({
      %run_scoped3A_9 = tpu.sem_alloc : memref<!tpu.dma_semaphore, #tpu.memory_space<semaphore_mem>>
      %dma_start3A = tpu.memref_slice %arg2[%run_scoped3A_3, %mul3A_2] : memref<2x16384xf32, #tpu.memory_space<hbm>> -> memref<1x512xf32, #tpu.memory_space<hbm>>
      %dma_start3A_10 = tpu.memref_squeeze %dma_start3A : memref<1x512xf32, #tpu.memory_space<hbm>> -> memref<512xf32, #tpu.memory_space<hbm>>
      %dma_start3A_11 = tpu.memref_slice %arg2[%run_scoped3A_3, %mul3A_2] : memref<2x16384xf32, #tpu.memory_space<hbm>> -> memref<1x512xf32, #tpu.memory_space<hbm>>
      %dma_start3A_12 = tpu.memref_squeeze %dma_start3A_11 : memref<1x512xf32, #tpu.memory_space<hbm>> -> memref<512xf32, #tpu.memory_space<hbm>>
      tpu.enqueue_dma source(%dma_start3A_12 : memref<512xf32, #tpu.memory_space<hbm>>) target(%arg5 : memref<512xf32, #tpu.memory_space<vmem>>) target_semaphore(%run_scoped3A_9 : memref<!tpu.dma_semaphore, #tpu.memory_space<semaphore_mem>>)
      %dma_wait3A = tpu.memref_slice %arg2[%run_scoped3A_3, %mul3A_2] : memref<2x16384xf32, #tpu.memory_space<hbm>> -> memref<1x512xf32, #tpu.memory_space<hbm>>
      %dma_wait3A_13 = tpu.memref_squeeze %dma_wait3A : memref<1x512xf32, #tpu.memory_space<hbm>> -> memref<512xf32, #tpu.memory_space<hbm>>
      %dma_wait3A_14 = tpu.memref_slice %arg2[%run_scoped3A_3, %mul3A_2] : memref<2x16384xf32, #tpu.memory_space<hbm>> -> memref<1x512xf32, #tpu.memory_space<hbm>>
      %dma_wait3A_15 = tpu.memref_squeeze %dma_wait3A_14 : memref<1x512xf32, #tpu.memory_space<hbm>> -> memref<512xf32, #tpu.memory_space<hbm>>
      tpu.wait_dma2 semaphore(%run_scoped3A_9 : memref<!tpu.dma_semaphore, #tpu.memory_space<semaphore_mem>>) src(%dma_wait3A_15 : memref<512xf32, #tpu.memory_space<hbm>>) dst(%arg5 : memref<512xf32, #tpu.memory_space<vmem>>)
      tpu.yield
    }) : () -> ()
    %scan3A = arith.constant 0 : i32
    %scan3A_4 = arith.constant 0 : i32
    %scan3A_5 = arith.constant 32 : i32
    %scan3A_6 = arith.addi %scan3A_4, %scan3A_5 : i32
    %scan3A_7 = arith.constant 1 : i32
    scf.for %scan3A_9 = %scan3A_4 to %scan3A_6 step %scan3A_7  : i32 {
      %mul3A_10 = arith.constant 16 : i32
      %mul3A_11 = arith.muli %scan3A_9, %mul3A_10 : i32
      %get3A = arith.index_cast %mul3A_11 : i32 to index
      %get3A_12 = tpu.vector_load %arg4[%get3A] {strides = array<i32>} : memref<512xf32, #tpu.memory_space<vmem>>, vector<16xf32>,
      %get3A_13 = arith.index_cast %mul3A_11 : i32 to index
      %get3A_14 = tpu.vector_load %arg5[%get3A_13] {strides = array<i32>} : memref<512xf32, #tpu.memory_space<vmem>>, vector<16xf32>,
      %add3A_15 = arith.addf %get3A_12, %get3A_14 : vector<16xf32>
      %add3A_16 = arith.constant 9.99999996E-13 : f32
      %add3A_17 = vector.broadcast %add3A_16 : f32 to vector<16xf32>
      %add3A_18 = arith.addf %add3A_15, %add3A_17 : vector<16xf32>
      %bitcast3A = vector.bitcast %add3A_18 : vector<16xf32> to vector<16xi32>
      %shift_right_arithmetic3A = arith.constant 1 : i32
      %shift_right_arithmetic3A_19 = vector.broadcast %shift_right_arithmetic3A : i32 to vector<16xi32>
      %shift_right_arithmetic3A_20 = arith.shrsi %bitcast3A, %shift_right_arithmetic3A_19 : vector<16xi32>
      %sub3A = arith.constant 1597463007 : i32
      %sub3A_21 = vector.broadcast %sub3A : i32 to vector<16xi32>
      %sub3A_22 = arith.subi %sub3A_21, %shift_right_arithmetic3A_20 : vector<16xi32>
      %bitcast3A_23 = vector.bitcast %sub3A_22 : vector<16xi32> to vector<16xf32>
      %mul3A_24 = arith.constant 5.000000e-01 : f32
      %mul3A_25 = vector.broadcast %mul3A_24 : f32 to vector<16xf32>
      %mul3A_26 = arith.mulf %mul3A_25, %add3A_18 : vector<16xf32>
      %mul3A_27 = arith.mulf %mul3A_26, %bitcast3A_23 : vector<16xf32>
      %mul3A_28 = arith.mulf %mul3A_27, %bitcast3A_23 : vector<16xf32>
      %sub3A_29 = arith.constant 1.500000e+00 : f32
      %sub3A_30 = vector.broadcast %sub3A_29 : f32 to vector<16xf32>
      %sub3A_31 = arith.subf %sub3A_30, %mul3A_28 : vector<16xf32>
      %mul3A_32 = arith.mulf %bitcast3A_23, %sub3A_31 : vector<16xf32>
      %mul3A_33 = arith.mulf %mul3A_26, %mul3A_32 : vector<16xf32>
      %mul3A_34 = arith.mulf %mul3A_33, %mul3A_32 : vector<16xf32>
      %sub3A_35 = arith.constant 1.500000e+00 : f32
      %sub3A_36 = vector.broadcast %sub3A_35 : f32 to vector<16xf32>
      %sub3A_37 = arith.subf %sub3A_36, %mul3A_34 : vector<16xf32>
      %mul3A_38 = arith.mulf %mul3A_32, %sub3A_37 : vector<16xf32>
      %mul3A_39 = arith.mulf %mul3A_26, %mul3A_38 : vector<16xf32>
      %mul3A_40 = arith.mulf %mul3A_39, %mul3A_38 : vector<16xf32>
      %sub3A_41 = arith.constant 1.500000e+00 : f32
      %sub3A_42 = vector.broadcast %sub3A_41 : f32 to vector<16xf32>
      %sub3A_43 = arith.subf %sub3A_42, %mul3A_40 : vector<16xf32>
      %mul3A_44 = arith.mulf %mul3A_38, %sub3A_43 : vector<16xf32>
      %mul3A_45 = arith.mulf %add3A_18, %mul3A_44 : vector<16xf32>
      %swap3A = arith.index_cast %mul3A_11 : i32 to index
      %swap3A_46 = tpu.vector_load %arg6[%swap3A] {strides = array<i32>} : memref<512xf32, #tpu.memory_space<vmem>>, vector<16xf32>,
      tpu.vector_store %arg6[%swap3A], %mul3A_45 {strides = array<i32>} : memref<512xf32, #tpu.memory_space<vmem>>, vector<16xf32>,
    }
    %scan3A_8 = arith.constant 32 : i32
    "tpu.region"() ({
      %run_scoped3A_9 = tpu.sem_alloc : memref<!tpu.dma_semaphore, #tpu.memory_space<semaphore_mem>>
      %dma_start3A = tpu.memref_slice %arg3[%mul3A_2] : memref<16384xf32, #tpu.memory_space<hbm>> -> memref<512xf32, #tpu.memory_space<hbm>>
      %dma_start3A_10 = tpu.memref_slice %arg3[%mul3A_2] : memref<16384xf32, #tpu.memory_space<hbm>> -> memref<512xf32, #tpu.memory_space<hbm>>
      tpu.enqueue_dma source(%arg6 : memref<512xf32, #tpu.memory_space<vmem>>) target(%dma_start3A_10 : memref<512xf32, #tpu.memory_space<hbm>>) target_semaphore(%run_scoped3A_9 : memref<!tpu.dma_semaphore, #tpu.memory_space<semaphore_mem>>)
      %dma_wait3A = tpu.memref_slice %arg3[%mul3A_2] : memref<16384xf32, #tpu.memory_space<hbm>> -> memref<512xf32, #tpu.memory_space<hbm>>
      %dma_wait3A_11 = tpu.memref_slice %arg3[%mul3A_2] : memref<16384xf32, #tpu.memory_space<hbm>> -> memref<512xf32, #tpu.memory_space<hbm>>
      tpu.wait_dma2 semaphore(%run_scoped3A_9 : memref<!tpu.dma_semaphore, #tpu.memory_space<semaphore_mem>>) src(%arg6 : memref<512xf32, #tpu.memory_space<vmem>>) dst(%dma_wait3A_11 : memref<512xf32, #tpu.memory_space<hbm>>)
      tpu.yield
    }) : () -> ()
    return
  }
}

</mosaic_0001>

<sc_bundles>
// kernel: kernel.4.cloned.1.call-start
scs
__scs_entry_jumppad:
0x0: {  	(pc) =	sbr.rel $0x88, $3  }
0x1: {  	(tag) =	ssettag $0x0;
	lr =	simm.s32 $0x1  }
0x2: {  	[smem:$0x3F9F] =	sst lr;
	_ =	strace $0xD0000000  }
0x3: {  	_ = 	snop  }
0x4: {  	_ = 	snop  }
0x5: {  	_ = 	snop  }
0x6: {  	_ = 	snop  }
0x7: {  	_ = 	snop  }
__scs_overlays_trampoline_lowered:
0x8: {  	[smem:$0x3FAE] =	sst s0  }
0x9: {  	[smem:$0x3FAF] =	sst s1  }
0xa: {  	[smem:$0x3FB0] =	sst s2  }
0xb: {  	[smem:$0x3FB1] =	sst s3  }
0xc: {  	[smem:$0x3FB2] =	sst s4  }
0xd: {  	[smem:$0x3FB3] =	sst s5  }
0xe: {  	[smem:$0x3FB4] =	sst s6  }
0xf: {  	[smem:$0x3FB5] =	sst s7  }
0x10: {  	[smem:$0x3FB6] =	sst s8  }
0x11: {  	[smem:$0x3FB7] =	sst s9;
	s0 =	simm.s32 @!p0 $0x0  }
0x12: {  	s1 =	sld [smem:$0x3F9D];
	s0 =	simm.s32 @p0 $0x1  }
0x13: {  	[smem:$0x3FB8] =	sst s0;
	s0 =	simm.s32 @!p1 $0x0  }
0x14: {  	s2 =	sld [smem:$0x3F9C];
	s0 =	simm.s32 @p1 $0x1  }
0x15: {  	[smem:$0x3FB9] =	sst s0;
	s0 =	simm.s32 @!p2 $0x0  }
0x16: {  	s3 =	sld [smem:$0x3FDB];
	s0 =	simm.s32 @p2 $0x1  }
0x17: {  	s4 =	simm.s32 $0x1BF5;
	[smem:$0x3FBB] =	sst s0  }
0x18: {  	s0 =	sld [smem:$0x3F9E];
	_ =	swait.ge [sflag:s4], $0x0  }
0x19: {  	s7 =	sld [smem:$0x3F9F]  }
0x1a: {  	s8 =	sadd.s32 $0xFFFFE003, lr  }
0x1b: {  	s9 =	sadd.s32 $0xFFFFFEF7, lr;
	s5 =	simm.s32 $0xFFFFFFFF;
	p2 =	slt.u32 s8, $0xFFFFF086  }
0x1c: {  	p1 =	slt.u32 s9, $0xF7A;
	s5 =	simm.s32 @!p2 $0x0  }
0x1d: {  	s5 =	simm.s32 @p1 $0x1;
	p0 =	seq.s32 s7, s2  }
0x1e: {  	s7 =	smul.u32 @!p0 $0xF7A, s2;
	p2 =	seq.s32 @!p0 s5, $0x0  }
0x1f: {  	s9 =	smul.u32 $0xF7A, s1;
	s8 =	simm.s32 @!p0 $0x1BF5;
	p2 =	por !p2, p0  }
0x20: {  	[sflag:s8] =	ssyncset.s32 @!p0 $0xFFFFF086;
	s6 =	sadd.s32 @!p0 s3, s7;
	s7 =	simm.s32 @!p0 $0x108  }
0x21: {  	s3 =	sadd.s32 s3, s9;
	s6 =	sadd.s32 @!p0 $0x88, s6;
	s7 =	simm.s32 @p2 $0x1082  }
0x22: {  	[simem:s7], [sflag:s8] =	dma.local @!p0 [hbm:s6], $0xF7A  }
0x23: {  	s9 =	sor.u32 $0xD0000000, s2;
	s6 =	simm.s32 $0x108;
	_ =	swait.ge @!p0 [sflag:s8], $0x0  }
0x24: {  	s3 =	sadd.s32 $0x88, s3;
	s6 =	simm.s32 @!p1 $0x1082;
	[sflag:s4] =	ssyncset.s32 $0xFFFFF086  }
0x25: {  	[simem:s6], [sflag:s4] =	dma.local [hbm:s3], $0xF7A  }
0x26: {  	[smem:$0x3F9F] =	sst s1;
	(tag) =	ssettag s2;
	_ =	strace s9  }
0x27: {  	s1 =	sld [smem:$0x3FAF]  }
0x28: {  	s2 =	sld [smem:$0x3FB0]  }
0x29: {  	s4 =	sld [smem:$0x3FB2]  }
0x2a: {  	p0 =	seq.s32 s5, $0x0;
	s5 =	sld [smem:$0x3FB3]  }
0x2b: {  	s6 =	sld [smem:$0x3FB4]  }
0x2c: {  	s7 =	sld [smem:$0x3FB5]  }
0x2d: {  	s3 =	simm.s32 $0x108;
	s8 =	sld [smem:$0x3FB6]  }
0x2e: {  	s3 =	simm.s32 @!p0 $0x1082;
	s9 =	sld [smem:$0x3FB7]  }
0x2f: {  	lr =	sadd.s32 s0, s3;
	s0 =	sld [smem:$0x3FAE]  }
0x30: {  	s3 =	sld [smem:$0x3FB1]  }
0x31: {  	[smem:$0x3FBA] =	sst s10  }
0x32: {  	s10 =	sld [smem:$0x3FB8];
	_ =	sdelay $0x3  }
0x33: {  	p0 =	seq.s32 s10, $0x1;
	s10 =	sld [smem:$0x3FBA];
	_ =	sdelay $0x3  }
0x34: {  	[smem:$0x3FBA] =	sst s10  }
0x35: {  	s10 =	sld [smem:$0x3FB9];
	_ =	sdelay $0x3  }
0x36: {  	p1 =	seq.s32 s10, $0x1;
	s10 =	sld [smem:$0x3FBA];
	_ =	sdelay $0x3  }
0x37: {  	[smem:$0x3FBA] =	sst s10  }
0x38: {  	s10 =	sld [smem:$0x3FBB]  }
0x39: {  	_ = 	snop;
	(pc) =	sbr.ind lr, $3  }
0x3a: {  	_ = 	snop  }
0x3b: {  	_ = 	snop  }
0x3c: {  	p2 =	seq.s32 s10, $0x1;
	s10 =	sld [smem:$0x3FBA]  }
0x3d: {  	_ =	shalt  }
0x3e: {  	_ =	shalt  }
0x3f: {  	_ =	shalt  }
0x40: {  	_ =	shalt  }
0x41: {  	_ =	shalt  }
0x42: {  	_ =	shalt  }
0x43: {  	_ =	shalt  }
0x44: {  	_ =	shalt  }
0x45: {  	_ =	shalt  }
0x46: {  	_ =	shalt  }
0x47: {  	_ =	shalt  }
0x48: {  	_ =	shalt  }
0x49: {  	_ =	shalt  }
0x4a: {  	_ =	shalt  }
0x4b: {  	_ =	shalt  }
0x4c: {  	_ =	shalt  }
0x4d: {  	_ =	shalt  }
0x4e: {  	_ =	shalt  }
0x4f: {  	_ =	shalt  }
0x50: {  	_ =	shalt  }
0x51: {  	_ =	shalt  }
0x52: {  	_ =	shalt  }
0x53: {  	_ =	shalt  }
0x54: {  	_ =	shalt  }
0x55: {  	_ =	shalt  }
0x56: {  	_ =	shalt  }
0x57: {  	_ =	shalt  }
0x58: {  	_ =	shalt  }
0x59: {  	_ =	shalt  }
0x5a: {  	_ =	shalt  }
0x5b: {  	_ =	shalt  }
0x5c: {  	_ =	shalt  }
0x5d: {  	_ =	shalt  }
0x5e: {  	_ =	shalt  }
0x5f: {  	_ =	shalt  }
0x60: {  	_ =	shalt  }
0x61: {  	_ =	shalt  }
0x62: {  	_ =	shalt  }
0x63: {  	_ =	shalt  }
0x64: {  	_ =	shalt  }
0x65: {  	_ =	shalt  }
0x66: {  	_ =	shalt  }
0x67: {  	_ =	shalt  }
0x68: {  	_ =	shalt  }
0x69: {  	_ =	shalt  }
0x6a: {  	_ =	shalt  }
0x6b: {  	_ =	shalt  }
0x6c: {  	_ =	shalt  }
0x6d: {  	_ =	shalt  }
0x6e: {  	_ =	shalt  }
0x6f: {  	_ =	shalt  }
0x70: {  	_ =	shalt  }
0x71: {  	_ =	shalt  }
0x72: {  	_ =	shalt  }
0x73: {  	_ =	shalt  }
0x74: {  	_ =	shalt  }
0x75: {  	_ =	shalt  }
0x76: {  	_ =	shalt  }
0x77: {  	_ =	shalt  }
0x78: {  	_ =	shalt  }
0x79: {  	_ =	shalt  }
0x7a: {  	_ =	shalt  }
0x7b: {  	_ =	shalt  }
0x7c: {  	_ =	shalt  }
0x7d: {  	_ =	shalt  }
0x7e: {  	_ =	shalt  }
0x7f: {  	_ =	shalt  }
0x80: {  	_ =	shalt  }
0x81: {  	_ =	shalt  }
0x82: {  	_ =	shalt  }
0x83: {  	_ =	shalt  }
0x84: {  	_ =	shalt  }
0x85: {  	_ =	shalt  }
0x86: {  	_ =	shalt  }
0x87: {  	_ =	shalt  }
.Lfunc_end0:
.L_simem_size_0:
called_computation_lowered:
.L_overlay_start_0:
0x88: {  	s2 =	sld [smem:$0x3FD9]  }
0x89: {  	s3 =	sld [smem:$0x3FFE];
	_ =	sdelay $0x1  }
0x8a: {  	s1 =	srdreg.scid  }
0x8b: {  	s0 =	sand.u32 $0x1, s1  }
0x8c: {  	s17 =	sshll.u32 s0, $0xA;
	s2 =	sadd.s32 s3, s2  }
0x8d: {  	s2 =	sadd.s32 s2, s17  }
0x8e: {  	[smem:$0x3FC6] =	sst s2  }
0x8f: {  	_ = 	snop  }
0x90: {  	s2 =	sld [smem:$0x3FC8]  }
0x91: {  	s18 =	sld [smem:$0x3FD0];
	(tm) =	ssettm $0x1  }
0x92: {  	s4 =	sld [smem:$0x3FFB];
	_ =	sdelay $0x3  }
0x93: {  	_ =	strace s4  }
0x94: {  	s4 =	sld [smem:$0x3FFC];
	_ =	sdelay $0x3  }
0x95: {  	_ =	strace s4  }
0x96: {  	s4 =	sld [smem:$0x3FFD];
	_ =	sdelay $0x3  }
0x97: {  	_ =	strace s4  }
0x98: {  	_ =	strace $0x8FFFFFFF  }
0x99: {  	s19 =	sld [smem:$0x3FDB];
	_ =	sdelay $0x1  }
0x9a: {  	s5 =	simm.s32 $_scs_section_size  }
0x9b: {  	s6 =	simm.s32 $_size__tile_overlayer_lowered;
	s7 =	simm.s32 $_tile_overlayer_lowered  }
0x9c: {  	s22 =	simm.s32 $0x1BFF;
	s21 =	sshll.u32 s7, $0x1;
	s4 =	sadd.s32 s5, s19  }
0x9d: {  	s8 =	simm.s32 $0x0;
	s20 =	sshll.u32 s6, $0x1;
	s6 =	sadd.s32 s21, s4  }
0x9e: {  	[timem:s8], [sflag:s22] =	dma.local [hbm:s6], s20  }
0x9f: {  	_ =	swait.ge [sflag:s22], s20  }
0xa0: {  	s5 =	ssub.s32 $0x0, s20;
	[sflag:s22] =	ssyncset.done $0x0  }
0xa1: {  	[sflag:s22] =	ssyncadd.s32 s5;
	_ =	sdelay $0x1  }
0xa2: {  	s23 =	simm.s32 $0x1B8B  }
0xa3: {  	_ =	swait.ge [sflag:s23], $0x1  }
0xa4: {  	[sflag:s23] =	ssyncset.done $0x0  }
0xa5: {  	s25 =	simm.s32 $0x1B8E;
	s24 =	sld [smem:$0x3FFE];
	[sflag:s23] =	ssyncadd.s32 $0xFFFFFFFF  }
0xa6: {  	s26 =	simm.s32 $execute0_lowered;
	[smem:$0x3FD2] =	sst s25  }
0xa7: {  	s6 =	sshll.u32 s26, $0x1;
	_ =	strace $0x80000046;
	[dreg:$0x1] =	wrdreg $0xFFFFFFFF  }
0xa8: {  	s28 =	simm.s32 $_size_execute0_lowered;
	s4 =	sadd.s32 s4, s6;
	[dreg:$0x0] =	wrdreg $0x0  }
0xa9: {  	s6 =	sshll.u32 s28, $0x1;
	[dreg:$0x2] =	wrdreg s4  }
0xaa: {  	[dreg:$0x3] =	wrdreg s6  }
0xab: {  	[dreg:$0x4] =	wrdreg $0xC0  }
0xac: {  	_ =	task [dreg:s8], $0x5FFFF  }
0xad: {  	[dreg:$0x1] =	wrdreg $0xFFFFFFFF  }
0xae: {  	[dreg:$0x0] =	wrdreg $0x60  }
0xaf: {  	[dreg:$0x2] =	wrdreg s24  }
0xb0: {  	[dreg:$0x3] =	wrdreg s18  }
0xb1: {  	[dreg:$0x4] =	wrdreg s2  }
0xb2: {  	[dreg:$0x5] =	wrdreg $0x0  }
0xb3: {  	[dreg:$0x6] =	wrdreg $0x9  }
0xb4: {  	_ =	task.clear_ibuf [dreg:s8], $0x7FFFF;
	_ =	strace $0x90000046  }
0xb5: {  	s29 =	simm.s32 $0x9;
	_ =	strace $0x80000048  }
0xb6: {  	_ =	swait.ge [sflag:s29], $0x1  }
0xb7: {  	[sflag:s29] =	ssyncadd.s32 $0xFFFFFFFF  }
0xb8: {  	_ =	strace $0x90000048  }
0xb9: {  	_ =	sfence  }
0xba: {  	s30 =	sld [smem:$0x0];
	_ =	sdelay $0x2  }
0xbb: {  	s31 =	sshll.u32 s1, $0xD;
	s1 =	sshrl.u32 s1, $0x2  }
0xbc: {  	s3 =	sand.u32 $0x4000, s31;
	s1 =	sadd.s32 s1, s30  }
0xbd: {  	s0 =	sor.u32 s3, s0;
	s1 =	sshll.u32 s1, $0x11  }
0xbe: {  	s0 =	sor.u32 s1, s0  }
0xbf: {  	s0 =	sadd.s32 $0x8F2B, s0  }
0xc0: {  	[sflag:s0] =	ssyncadd.remote.s32 $0x1  }
0xc1: {  	_ =	sfence.sel $0xFFFF  }
0xc2: {  	[dreg:$0x0] =	wrdreg $0xFFFFFFFF;
	(pc) =	sbr.abs _section_cstart, $3  }
0xc3: {  	[dreg:$0x1] =	wrdreg $0xFFFFFFFF  }
0xc4: {  	_ =	task.clear_ibuf [dreg:s8], $0x2FFFF;
	_ =	strace $0x9FFFFFFF  }
0xc5: {  	(tm) =	ssettm $0x7FFFFFFF  }
tec
execute0_lowered:
.L_overlay_start_1:
0x0: {  	(tag) =	ssettag $0x1  }
0x1: {  	s0 =	rddreg [dreg:$0x0]  }
0x2: {  	s2 =	rddreg [dreg:$0x1]  }
0x3: {  	s1 =	rddreg [dreg:$0x2]  }
0x4: {  	s3 =	rddreg [dreg:$0x3];
	s5 =	srdreg.scid;
	s4 =	simm.s32 $0x0  }
0x5: {  	s17 =	stileid.u32;
	s15 =	simm.s32 $0xF800;
	s16 =	simm.s32 $0x10C00  }
0x6: {  	s19 =	simm.s32 $0x1;
	s20 =	simm.s32 $0x10;
	s21 =	simm.s32 $0x80  }
0x7: {  	s22 =	simm.s32 $0x400;
	s23 =	simm.s32 $0x10400;
	s28 =	simm.s32 $0x15C00  }
0x8: {  	s29 =	simm.s32 $0x0;
	s7 =	sand.u32 $0x1, s5;
	[smem:$0x7FF] =	sst s4  }
0x9: {  	s8 =	sshll.u32 s17, $0x7;
	s13 =	sshll.u32 s17, $0x8;
	s14 =	smul.u32 $0x3D000, s17  }
0xa: {  	s31 =	sshll.u32 s17, $0x6;
	s5 =	smul.u32 $0xA00, s7;
	_ =	strace $0x80000047  }
0xb: {  	s9 =	sadd.s32 s8, s0;
	s24 =	sshll.u32 s7, $0x4;
	s6 =	ssub.s32 $0x2, s7  }
0xc: {  	s25 =	smul.u32 $0x1E85000, s7;
	s8 =	sadd.s32 s2, s8;
	s11 =	sshrl.u32 s6, $0x1  }
0xd: {  	s30 =	sshrl.u32 s14, $0x2;
	s14 =	simm.s32 $0x3;
	s10 =	sadd.s32 s5, s0  }
0xe: {  	s0 =	sadd.s32 s24, s0;
	s5 =	smul.u32 $0x7A000, s17;
	s12 =	ssub.s32 s6, s11  }
0xf: {  	s6 =	sshll.u32 s7, $0x5;
	s7 =	sadd.s32 $0xA00, s9;
	s18 =	sadd.s32 s30, s3  }
0x10: {  	s17 =	sor.u32 $0x1C01, s31;
	s24 =	simm.s32 $0x10800;
	s9 =	sadd.s32 $0x1200, s10  }
0x11: {  	s0 =	sadd.s32 s13, s0;
	s12 =	smax.u32 s12, $0x1;
	s26 =	sadd.s32 s5, s25  }
0x12: {  	s13 =	simm.s32 $0xF400;
	s18 =	sshrl.u32 s18, $0x3;
	s2 =	sshrl.u32 s26, $0x3  }
0x13: {  	v0 =	vimm.f32 $0.0e+00;
	s11 =	sadd.s32 $0x2600, s0;
	s25 =	simm.s32 $0x2;
	s10 =	sadd.s32 s1, s2  }
.LBB2_1:
0x14: {  	[tilespmem:s13], [sflag:$0x3] =	stream.linear.gather [hbm4b:s7+s4], $0x400, $0x38;
	[tilespmem:$0x16000] =	vst v63  }
0x15: {  	_ =	swait.ge [sflag:s14], $0x400  }
0x16: {  	[sflag:s14] =	ssyncset.done $0x0  }
0x17: {  	[sflag:s14] =	ssyncadd.s32 $0xFFFFFC00  }
0x18: {  	[tilespmem:s15], [sflag:$0x3] =	stream.linear.gather [hbm4b:s8+s4], $0x400, $0x38;
	[tilespmem:$0x16000] =	vst v63  }
0x19: {  	_ =	swait.ge [sflag:s14], $0x400  }
0x1a: {  	[sflag:s14] =	ssyncset.done $0x0  }
0x1b: {  	[sflag:s14] =	ssyncadd.s32 $0xFFFFFC00  }
0x1c: {  	[tilespmem:s16], [sflag:$0x3] =	stream.linear.gather [hbm4b:s9+s4], $0x5000, $0x38;
	[tilespmem:$0x16000] =	vst v63  }
0x1d: {  	_ =	swait.ge [sflag:s14], $0x5000  }
0x1e: {  	[sflag:s14] =	ssyncset.done $0x0  }
0x1f: {  	s0 =	simm.s32 $0x0;
	[sflag:s14] =	ssyncadd.s32 $0xFFFFB000  }
0x20: {  	v3 =	vld [tilespmem:s0+$0xF400]  }
0x21: {  	v4 =	vld [tilespmem:s0+$0xF800];
	_ =	sdelay $0x3  }
0x22: {  	v1 =	vadd.s32 $0xFFF0C001, v3;
	vm0 =	vlt.s32 v3, $0xF3FFF  }
0x23: {  	[tilespmem:s0+$0x15C00] =	vst v0;
	v2 =	vadd.s32 $0xFFF0C001, v4;
	vm2 =	vlt.s32 v4, $0xF3FFF;
	v3 =	vnsel vm0, $0xF3FFF, v3  }
0x24: {  	s2 =	simm.s32 $0x10;
	s26 =	simm.s32 $0x80;
	vm0 =	vgt.s32 v1, $0x0;
	vm1 =	vgt.s32 v2, $0x0;
	[tilespmem:s0+$0xF400] =	vst v3;
	v3 =	vnsel vm2, $0xF3FFF, v4  }
.LBB2_2:
0x25: {  	p0 =	sne.s32 s26, $0xFC0;
	v4 =	vld [tilespmem:s2+$0xF400];
	v1 =	vnsel vm0, $0x0, v1;
	v2 =	vnsel vm1, $0x0, v2;
	[tilespmem:s0+$0xF800] =	vst v3  }
0x26: {  	v3 =	vld [tilespmem:s2+$0xF800];
	[tilespmem:s0+$0xFC00] =	vst v1  }
0x27: {  	[tilespmem:s0+$0x10000] =	vst v2;
	s0 =	smov.u32 s2  }
.Ltmp0:
0x28: {  	[tilespmem:s0+$0x15C00] =	vst v0;
	(pc) =	sbr.rel @p0 .LBB2_2-.Ltmp0, $4  }
0x29: {  	_ = 	snop  }
0x2a: {  	v1 =	vadd.s32 $0xFFF0C001, v4;
	vm0 =	vlt.s32 v4, $0xF3FFF  }
0x2b: {  	v2 =	vadd.s32 $0xFFF0C001, v3;
	v4 =	vnsel vm0, $0xF3FFF, v4;
	vm2 =	vlt.s32 v3, $0xF3FFF  }
0x2c: {  	s2 =	sshra.s32 s26, $0x2;
	s26 =	sadd.s32 $0x40, s26;
	vm0 =	vgt.s32 v1, $0x0;
	vm1 =	vgt.s32 v2, $0x0;
	[tilespmem:s0+$0xF400] =	vst v4;
	v3 =	vnsel vm2, $0xF3FFF, v3  }
0x2d: {  	v4 =	vld [tilespmem:s2+$0xF400];
	[tilespmem:s0+$0xF800] =	vst v3  }
0x2e: {  	v3 =	vld [tilespmem:s2+$0xF800];
	_ =	sdelay $0x1  }
0x2f: {  	v1 =	vnsel vm0, $0x0, v1  }
0x30: {  	v2 =	vnsel vm1, $0x0, v2;
	[tilespmem:s0+$0xFC00] =	vst v1  }
0x31: {  	[tilespmem:s0+$0x10000] =	vst v2;
	vm12 =	vlt.s32 v4, $0xF3FFF  }
0x32: {  	[tilespmem:s2+$0x15C00] =	vst v0;
	v1 =	vadd.s32 $0xFFF0C001, v4;
	v2 =	vnsel vm12, $0xF3FFF, v4;
	vm13 =	vlt.s32 v3, $0xF3FFF  }
0x33: {  	v63 =	vadd.s32 $0xFFF0C001, v3;
	vm14 =	vgt.s32 v1, $0x0;
	[tilespmem:s2+$0xF400] =	vst v2;
	v2 =	vnsel vm13, $0xF3FFF, v3  }
0x34: {  	vm15 =	vgt.s32 v63, $0x0;
	v1 =	vnsel vm14, $0x0, v1;
	[tilespmem:s2+$0xF800] =	vst v2  }
0x35: {  	v2 =	vnsel vm15, $0x0, v63;
	[tilespmem:s2+$0xFC00] =	vst v1  }
0x36: {  	s30 =	simm.s32 $0x0;
	[tilespmem:s2+$0x10000] =	vst v2  }
0x37: {  	[spmem:s18@s20], [sflag:s17] =	dma.strided [hbm:s10@s21], $0x1E80, s19, $0x10   }
.LBB2_5:
0x38: {  	_ =	swait.ge [sflag:s19], $0x1E80  }
0x39: {  	[sflag:s19] =	ssyncset.done $0x0  }
0x3a: {  	s2 =	smov.u32 s30;
	s30 =	sadd.s32 $0x1, s30;
	[sflag:s19] =	ssyncadd.s32 $0xFFFFE180  }
0x3b: {  	s0 =	smin.u32 s30, $0x1F;
	[bflag:$0x0] =	sbarrier.arrive $0xFFFF  }
0x3c: {  	[tilespmem:s23], [sflag:$0x2] =	stream.indirect.gather [spmem:s3], $0x1, s13, s22, $0xb8;
	[tilespmem:$0x16000] =	vst v63  }
0x3d: {  	s26 =	sor.u32 s6, s0  }
0x3e: {  	[tilespmem:s24], [sflag:$0x2] =	stream.indirect.gather [spmem:s3], $0x1, s15, s22, $0xb8;
	[tilespmem:$0x16000] =	vst v63  }
0x3f: {  	s26 =	sshrl.u32 s26, $0x3;
	_ =	swait.ge [sflag:s25], $0x400  }
0x40: {  	s26 =	smul.u32 $0x7A1400, s26;
	[sflag:s25] =	ssyncset.done $0x0  }
0x41: {  	s0 =	sshll.u32 s0, $0x7;
	[sflag:s25] =	ssyncadd.s32 $0xFFFFFC00  }
0x42: {  	s0 =	sand.u32 $0x380, s0;
	s26 =	sadd.s32 s5, s26;
	_ =	swait.ge [sflag:s25], $0x400  }
0x43: {  	s0 =	sor.u32 s0, s26;
	[sflag:s25] =	ssyncset.done $0x0  }
0x44: {  	s0 =	sshrl.u32 s0, $0x3;
	[sflag:s25] =	ssyncadd.s32 $0xFFFFFC00  }
0x45: {  	s0 =	sadd.s32 s1, s0;
	[bflag:$0x0] =	sbarrier.arrive $0xFFFF  }
0x46: {  	[spmem:s18@s20], [sflag:s17] =	dma.strided [hbm:s0@s21], $0x1E80, s19, $0x10   }
0x47: {  	s0 =	simm.s32 $0x0  }
0x48: {  	v5 =	vld [tilespmem:s0+$0xFC00]  }
0x49: {  	v6 =	vld [tilespmem:s0+$0x10000];
	_ =	sdelay $0x3  }
0x4a: {  	v2 =	vmov s2;
	v3 =	vadd.s32 $0xFFFFFFFF, v5  }
0x4b: {  	v1 =	vshrl.u32 v2, $0x3;
	v4 =	vadd.s32 $0xFFFFFFFF, v6;
	vm0 =	vgt.s32 v3, $0x0  }
0x4c: {  	v2 =	vshll.u32 v2, $0x7;
	vm1 =	vgt.s32 v4, $0x0;
	v3 =	vnsel vm0, $0x0, v3  }
0x4d: {  	v1 =	vmul.u32 $0x1400, v1;
	v4 =	vnsel vm1, $0x0, v4;
	v7 =	vshll.u32 v3, $0x3  }
0x4e: {  	v2 =	vand.u32 $0x380, v2;
	v8 =	vshll.u32 v4, $0x3;
	v7 =	vand.u32 $0xFFFFFC00, v7  }
0x4f: {  	v3 =	vand.u32 $0x7F, v3;
	v8 =	vand.u32 $0xFFFFFC00, v8;
	v7 =	vadd.s32 v1, v7  }
0x50: {  	v4 =	vand.u32 $0x7F, v4;
	v3 =	vor.u32 v3, v7;
	v7 =	vadd.s32 v1, v8  }
0x51: {  	s31 =	simm.s32 $0x10;
	v8 =	vor.u32 v2, v3;
	v3 =	vor.u32 v4, v7  }
0x52: {  	v4 =	vld [tilespmem:s31+$0xFC00];
	v7 =	vor.u32 v2, v3  }
0x53: {  	v9 =	vld [tilespmem:s0+$0x10400]  }
0x54: {  	v3 =	vld [tilespmem:s31+$0x10000]  }
0x55: {  	v10 =	vld [tilespmem:s0+$0x10800]  }
0x56: {  	v8 =	vld.idx.msk [tilespmem:v8+s16+$0x0], $0xffff  }
0x57: {  	v11 =	vadd.s32 $0xFFFFFFFF, v4;
	v7 =	vld.idx.msk [tilespmem:v7+s16+$0x0], $0xffff  }
0x58: {  	vm13 =	vgt.s32 v11, $0x0  }
0x59: {  	vm2 =	vgt.s32 v5, $0x0;
	v12 =	vadd.s32 $0xFFFFFFFF, v3;
	v5 =	vnsel vm13, $0x0, v11  }
0x5a: {  	vm15 =	vgt.s32 v6, $0x0;
	vm14 =	vgt.s32 v12, $0x0;
	v6 =	vshll.u32 v5, $0x3  }
0x5b: {  	v11 =	vnsel vm14, $0x0, v12;
	v5 =	vand.u32 $0x7F, v5;
	v6 =	vand.u32 $0xFFFFFC00, v6  }
0x5c: {  	v8 =	vsel vm2, v8, v9;
	v9 =	vld [tilespmem:s0+$0x15C00];
	v7 =	vsel vm15, v7, v10;
	v10 =	vshll.u32 v11, $0x3  }
0x5d: {  	v6 =	vadd.s32 v1, v6;
	v7 =	vsub.f32 v8, v7;
	v8 =	vand.u32 $0xFFFFFC00, v10  }
0x5e: {  	v6 =	vor.u32 v5, v6;
	v10 =	vand.u32 $0x7F, v11;
	v8 =	vadd.s32 v1, v8  }
0x5f: {  	v11 =	vmul.f32 v7, v7;
	v8 =	vor.u32 v10, v8;
	v7 =	vor.u32 v2, v6  }
0x60: {  	s2 =	simm.s32 $0x20;
	v8 =	vor.u32 v2, v8  }
0x61: {  	v5 =	vld [tilespmem:s2+$0xFC00];
	v9 =	vadd.f32 v11, v9  }
0x62: {  	s26 =	simm.s32 $0xC0;
	v6 =	vld [tilespmem:s2+$0x10000]  }
.LBB2_6:
0x63: {  	p0 =	seq.s32 s26, $0xFC0;
	v10 =	vld [tilespmem:s31+$0x10400];
	[tilespmem:s0+$0x15C00] =	vst v9;
	s0 =	smov.u32 s31;
	s31 =	smov.u32 s2  }
0x64: {  	v7 =	vld.idx.msk [tilespmem:v7+s16+$0x0], $0xffff  }
0x65: {  	v8 =	vld.idx.msk [tilespmem:v8+s16+$0x0], $0xffff  }
0x66: {  	v9 =	vld [tilespmem:s0+$0x10800]  }
0x67: {  	v11 =	vadd.s32 $0xFFFFFFFF, v5;
	v12 =	vadd.s32 $0xFFFFFFFF, v6  }
0x68: {  	vm2 =	vgt.s32 v4, $0x0;
	v4 =	vmovc v5;
	vm0 =	vgt.s32 v11, $0x0;
	vm1 =	vgt.s32 v12, $0x0  }
0x69: {  	v5 =	vnsel vm0, $0x0, v11;
	vm0 =	vgt.s32 v3, $0x0;
	v3 =	vmovc v6;
	v11 =	vnsel vm1, $0x0, v12  }
0x6a: {  	v6 =	vand.u32 $0x7F, v5;
	v5 =	vshll.u32 v5, $0x3;
	v12 =	vshll.u32 v11, $0x3  }
0x6b: {  	v7 =	vsel vm2, v7, v10;
	v5 =	vand.u32 $0xFFFFFC00, v5;
	v8 =	vsel vm0, v8, v9;
	v9 =	vld [tilespmem:s0+$0x15C00]  }
0x6c: {  	v5 =	vadd.s32 v1, v5;
	v10 =	vand.u32 $0xFFFFFC00, v12;
	v8 =	vsub.f32 v7, v8  }
.Ltmp1:
0x6d: {  	v5 =	vor.u32 v6, v5;
	v6 =	vand.u32 $0x7F, v11;
	v10 =	vadd.s32 v1, v10;
	(pc) =	sbr.rel @!p0 .LBB2_6-.Ltmp1, $4  }
0x6e: {  	v7 =	vor.u32 v2, v5;
	v5 =	vor.u32 v6, v10;
	v6 =	vmul.f32 v8, v8  }
0x6f: {  	s2 =	sshra.s32 s26, $0x2;
	v8 =	vor.u32 v2, v5  }
0x70: {  	v5 =	vld [tilespmem:s2+$0xFC00];
	v9 =	vadd.f32 v6, v9  }
0x71: {  	s26 =	sadd.s32 $0x40, s26;
	v6 =	vld [tilespmem:s2+$0x10000]  }
0x72: {  	_ =	sdelay $0x2  }
0x73: {  	v10 =	vld [tilespmem:s31+$0x10400];
	[tilespmem:s0+$0x15C00] =	vst v9  }
0x74: {  	v7 =	vld.idx.msk [tilespmem:v7+s16+$0x0], $0xffff  }
0x75: {  	v8 =	vld.idx.msk [tilespmem:v8+s16+$0x0], $0xffff  }
0x76: {  	v9 =	vld [tilespmem:s31+$0x10800]  }
0x77: {  	v11 =	vadd.s32 $0xFFFFFFFF, v5  }
0x78: {  	vm2 =	vgt.s32 v4, $0x0;
	v12 =	vadd.s32 $0xFFFFFFFF, v6;
	vm0 =	vgt.s32 v11, $0x0  }
0x79: {  	vm13 =	vgt.s32 v3, $0x0;
	vm1 =	vgt.s32 v12, $0x0;
	v57 =	vnsel vm0, $0x0, v11  }
0x7a: {  	v58 =	vnsel vm1, $0x0, v12;
	v3 =	vand.u32 $0x7F, v57;
	v4 =	vshll.u32 v57, $0x3  }
0x7b: {  	v59 =	vld [tilespmem:s31+$0x15C00];
	v7 =	vsel vm2, v7, v10;
	v8 =	vsel vm13, v8, v9;
	v4 =	vand.u32 $0xFFFFFC00, v4  }
0x7c: {  	v12 =	vshll.u32 v58, $0x3;
	v7 =	vsub.f32 v7, v8;
	v4 =	vadd.s32 v1, v4  }
0x7d: {  	v61 =	vand.u32 $0x7F, v58;
	v60 =	vand.u32 $0xFFFFFC00, v12;
	v3 =	vor.u32 v3, v4  }
0x7e: {  	v1 =	vadd.s32 v1, v60;
	v62 =	vmul.f32 v7, v7;
	v3 =	vor.u32 v2, v3  }
0x7f: {  	v1 =	vor.u32 v61, v1  }
0x80: {  	v1 =	vor.u32 v2, v1;
	v2 =	vadd.f32 v62, v59;
	_ =	sdelay $0x1  }
0x81: {  	v63 =	vld [tilespmem:s2+$0x10400];
	[tilespmem:s31+$0x15C00] =	vst v2  }
0x82: {  	v2 =	vld.idx.msk [tilespmem:v3+s16+$0x0], $0xffff  }
0x83: {  	v3 =	vld [tilespmem:s2+$0x10800]  }
0x84: {  	v1 =	vld.idx.msk [tilespmem:v1+s16+$0x0], $0xffff;
	_ =	sdelay $0x3  }
0x85: {  	vm14 =	vgt.s32 v5, $0x0;
	vm15 =	vgt.s32 v6, $0x0  }
0x86: {  	v2 =	vsel vm14, v2, v63;
	v1 =	vsel vm15, v1, v3;
	v3 =	vld [tilespmem:s2+$0x15C00]  }
0x87: {  	v1 =	vsub.f32 v2, v1;
	_ =	sdelay $0x1  }
0x88: {  	v1 =	vmul.f32 v1, v1;
	_ =	sdelay $0x1  }
0x89: {  	v1 =	vadd.f32 v1, v3;
	_ =	sdelay $0x1  }
0x8a: {  	[tilespmem:s2+$0x15C00] =	vst v1  }
0x8b: {  	p0 =	seq.s32 s30, $0x20  }
.Ltmp2:
0x8c: {  	_ = 	snop;
	(pc) =	sbr.rel @!p0 .LBB2_5-.Ltmp2, $1  }
0x8d: {  	_ =	sdelay $0x3  }
0x8e: {  	_ =	swait.ge [sflag:s19], $0x1E80;
	s29 =	sadd.s32 $0x1, s29  }
0x8f: {  	[sflag:s19] =	ssyncset.done $0x0;
	p0 =	sne.s32 s29, s12  }
.Ltmp3:
0x90: {  	s0 =	simm.s32 $0x100;
	[sflag:s19] =	ssyncadd.s32 $0xFFFFE180;
	(pc) =	sbr.rel @p0 .LBB2_1-.Ltmp3, $4  }
0x91: {  	[hbm4b:s11+s21] =	stream.strided.scatter [tilespmem:s28], [sflag:$0x3], $0x400, s0, s21, $0x38;
	[tilespmem:$0x16000] =	vst v63  }
0x92: {  	_ =	swait.ge [sflag:s14], $0x400  }
0x93: {  	[sflag:s14] =	ssyncset.done $0x0  }
0x94: {  	[sflag:s14] =	ssyncadd.s32 $0xFFFFFC00  }
0x95: {  	_ =	sfence.sel $0x180000  }
0x96: {  	[bflag:$0x0] =	sbarrier.arrive $0xFFFF  }
0x97: {  	_ =	strace $0x90000047  }
0x98: {  	s0 =	stileid.u32;
	[bflag:$0x2] =	sbarrier.arrive $0xFFFF  }
0x99: {  	p0 =	sne.s32 s0, $0x0;
	s0 =	rddreg [dreg:$0x4]  }
0x9a: {  	s0 =	sadd.s32 @!p0 $0x100000, s0  }
0x9b: {  	[sflag:s0] =	ssyncadd.tile.s32 @!p0 $0x1;
	_ =	shalt  }
.Lfunc_end2:
_tile_overlayer_lowered:
.L_overlay_start_2:
0x9c: {  	(tag) =	ssettag $0x2  }
0x9d: {  	s0 =	rddreg [dreg:$0x0];
	s2 =	stileid.u32  }
0x9e: {  	s1 =	rddreg [dreg:$0x1];
	p0 =	sne.s32 s2, $0x0  }
0x9f: {  	s3 =	rddreg [dreg:$0x2];
	[bflag:$0x3] =	sbarrier.arrive $0xFFFF;
	s2 =	simm.s32 @!p0 $0x1C03  }
0xa0: {  	[timem:s3], [sflag:s2] =	dma.local @!p0 [hbm:s0], s1  }
0xa1: {  	s0 =	simm.s32 @!p0 $0x3  }
0xa2: {  	_ =	swait.ge @!p0 [sflag:s0], s1  }
0xa3: {  	s1 =	ssub.s32 @!p0 $0x0, s1;
	[sflag:s0] =	ssyncset.done @!p0 $0x0  }
0xa4: {  	[sflag:s0] =	ssyncadd.s32 @!p0 s1  }
0xa5: {  	[bflag:$0x3] =	sbarrier.arrive $0xFFFF  }
0xa6: {  	_ =	shalt  }

// kernel: kernel.7.cloned.1.call-start
scs
__scs_entry_jumppad:
0x0: {  	(pc) =	sbr.rel $0x88, $3  }
0x1: {  	(tag) =	ssettag $0x0;
	lr =	simm.s32 $0x1  }
0x2: {  	[smem:$0x3F9F] =	sst lr;
	_ =	strace $0xD0000000  }
0x3: {  	_ = 	snop  }
0x4: {  	_ = 	snop  }
0x5: {  	_ = 	snop  }
0x6: {  	_ = 	snop  }
0x7: {  	_ = 	snop  }
__scs_overlays_trampoline_lowered:
0x8: {  	[smem:$0x3FAE] =	sst s0  }
0x9: {  	[smem:$0x3FAF] =	sst s1  }
0xa: {  	[smem:$0x3FB0] =	sst s2  }
0xb: {  	[smem:$0x3FB1] =	sst s3  }
0xc: {  	[smem:$0x3FB2] =	sst s4  }
0xd: {  	[smem:$0x3FB3] =	sst s5  }
0xe: {  	[smem:$0x3FB4] =	sst s6  }
0xf: {  	[smem:$0x3FB5] =	sst s7  }
0x10: {  	[smem:$0x3FB6] =	sst s8  }
0x11: {  	[smem:$0x3FB7] =	sst s9;
	s0 =	simm.s32 @!p0 $0x0  }
0x12: {  	s1 =	sld [smem:$0x3F9D];
	s0 =	simm.s32 @p0 $0x1  }
0x13: {  	[smem:$0x3FB8] =	sst s0;
	s0 =	simm.s32 @!p1 $0x0  }
0x14: {  	s2 =	sld [smem:$0x3F9C];
	s0 =	simm.s32 @p1 $0x1  }
0x15: {  	[smem:$0x3FB9] =	sst s0;
	s0 =	simm.s32 @!p2 $0x0  }
0x16: {  	s3 =	sld [smem:$0x3FDB];
	s0 =	simm.s32 @p2 $0x1  }
0x17: {  	s4 =	simm.s32 $0x1BF5;
	[smem:$0x3FBB] =	sst s0  }
0x18: {  	s0 =	sld [smem:$0x3F9E];
	_ =	swait.ge [sflag:s4], $0x0  }
0x19: {  	s7 =	sld [smem:$0x3F9F]  }
0x1a: {  	s8 =	sadd.s32 $0xFFFFE003, lr  }
0x1b: {  	s9 =	sadd.s32 $0xFFFFFEF7, lr;
	s5 =	simm.s32 $0xFFFFFFFF;
	p2 =	slt.u32 s8, $0xFFFFF086  }
0x1c: {  	p1 =	slt.u32 s9, $0xF7A;
	s5 =	simm.s32 @!p2 $0x0  }
0x1d: {  	s5 =	simm.s32 @p1 $0x1;
	p0 =	seq.s32 s7, s2  }
0x1e: {  	s7 =	smul.u32 @!p0 $0xF7A, s2;
	p2 =	seq.s32 @!p0 s5, $0x0  }
0x1f: {  	s9 =	smul.u32 $0xF7A, s1;
	s8 =	simm.s32 @!p0 $0x1BF5;
	p2 =	por !p2, p0  }
0x20: {  	[sflag:s8] =	ssyncset.s32 @!p0 $0xFFFFF086;
	s6 =	sadd.s32 @!p0 s3, s7;
	s7 =	simm.s32 @!p0 $0x108  }
0x21: {  	s3 =	sadd.s32 s3, s9;
	s6 =	sadd.s32 @!p0 $0x88, s6;
	s7 =	simm.s32 @p2 $0x1082  }
0x22: {  	[simem:s7], [sflag:s8] =	dma.local @!p0 [hbm:s6], $0xF7A  }
0x23: {  	s9 =	sor.u32 $0xD0000000, s2;
	s6 =	simm.s32 $0x108;
	_ =	swait.ge @!p0 [sflag:s8], $0x0  }
0x24: {  	s3 =	sadd.s32 $0x88, s3;
	s6 =	simm.s32 @!p1 $0x1082;
	[sflag:s4] =	ssyncset.s32 $0xFFFFF086  }
0x25: {  	[simem:s6], [sflag:s4] =	dma.local [hbm:s3], $0xF7A  }
0x26: {  	[smem:$0x3F9F] =	sst s1;
	(tag) =	ssettag s2;
	_ =	strace s9  }
0x27: {  	s1 =	sld [smem:$0x3FAF]  }
0x28: {  	s2 =	sld [smem:$0x3FB0]  }
0x29: {  	s4 =	sld [smem:$0x3FB2]  }
0x2a: {  	p0 =	seq.s32 s5, $0x0;
	s5 =	sld [smem:$0x3FB3]  }
0x2b: {  	s6 =	sld [smem:$0x3FB4]  }
0x2c: {  	s7 =	sld [smem:$0x3FB5]  }
0x2d: {  	s3 =	simm.s32 $0x108;
	s8 =	sld [smem:$0x3FB6]  }
0x2e: {  	s3 =	simm.s32 @!p0 $0x1082;
	s9 =	sld [smem:$0x3FB7]  }
0x2f: {  	lr =	sadd.s32 s0, s3;
	s0 =	sld [smem:$0x3FAE]  }
0x30: {  	s3 =	sld [smem:$0x3FB1]  }
0x31: {  	[smem:$0x3FBA] =	sst s10  }
0x32: {  	s10 =	sld [smem:$0x3FB8];
	_ =	sdelay $0x3  }
0x33: {  	p0 =	seq.s32 s10, $0x1;
	s10 =	sld [smem:$0x3FBA];
	_ =	sdelay $0x3  }
0x34: {  	[smem:$0x3FBA] =	sst s10  }
0x35: {  	s10 =	sld [smem:$0x3FB9];
	_ =	sdelay $0x3  }
0x36: {  	p1 =	seq.s32 s10, $0x1;
	s10 =	sld [smem:$0x3FBA];
	_ =	sdelay $0x3  }
0x37: {  	[smem:$0x3FBA] =	sst s10  }
0x38: {  	s10 =	sld [smem:$0x3FBB]  }
0x39: {  	_ = 	snop;
	(pc) =	sbr.ind lr, $3  }
0x3a: {  	_ = 	snop  }
0x3b: {  	_ = 	snop  }
0x3c: {  	p2 =	seq.s32 s10, $0x1;
	s10 =	sld [smem:$0x3FBA]  }
0x3d: {  	_ =	shalt  }
0x3e: {  	_ =	shalt  }
0x3f: {  	_ =	shalt  }
0x40: {  	_ =	shalt  }
0x41: {  	_ =	shalt  }
0x42: {  	_ =	shalt  }
0x43: {  	_ =	shalt  }
0x44: {  	_ =	shalt  }
0x45: {  	_ =	shalt  }
0x46: {  	_ =	shalt  }
0x47: {  	_ =	shalt  }
0x48: {  	_ =	shalt  }
0x49: {  	_ =	shalt  }
0x4a: {  	_ =	shalt  }
0x4b: {  	_ =	shalt  }
0x4c: {  	_ =	shalt  }
0x4d: {  	_ =	shalt  }
0x4e: {  	_ =	shalt  }
0x4f: {  	_ =	shalt  }
0x50: {  	_ =	shalt  }
0x51: {  	_ =	shalt  }
0x52: {  	_ =	shalt  }
0x53: {  	_ =	shalt  }
0x54: {  	_ =	shalt  }
0x55: {  	_ =	shalt  }
0x56: {  	_ =	shalt  }
0x57: {  	_ =	shalt  }
0x58: {  	_ =	shalt  }
0x59: {  	_ =	shalt  }
0x5a: {  	_ =	shalt  }
0x5b: {  	_ =	shalt  }
0x5c: {  	_ =	shalt  }
0x5d: {  	_ =	shalt  }
0x5e: {  	_ =	shalt  }
0x5f: {  	_ =	shalt  }
0x60: {  	_ =	shalt  }
0x61: {  	_ =	shalt  }
0x62: {  	_ =	shalt  }
0x63: {  	_ =	shalt  }
0x64: {  	_ =	shalt  }
0x65: {  	_ =	shalt  }
0x66: {  	_ =	shalt  }
0x67: {  	_ =	shalt  }
0x68: {  	_ =	shalt  }
0x69: {  	_ =	shalt  }
0x6a: {  	_ =	shalt  }
0x6b: {  	_ =	shalt  }
0x6c: {  	_ =	shalt  }
0x6d: {  	_ =	shalt  }
0x6e: {  	_ =	shalt  }
0x6f: {  	_ =	shalt  }
0x70: {  	_ =	shalt  }
0x71: {  	_ =	shalt  }
0x72: {  	_ =	shalt  }
0x73: {  	_ =	shalt  }
0x74: {  	_ =	shalt  }
0x75: {  	_ =	shalt  }
0x76: {  	_ =	shalt  }
0x77: {  	_ =	shalt  }
0x78: {  	_ =	shalt  }
0x79: {  	_ =	shalt  }
0x7a: {  	_ =	shalt  }
0x7b: {  	_ =	shalt  }
0x7c: {  	_ =	shalt  }
0x7d: {  	_ =	shalt  }
0x7e: {  	_ =	shalt  }
0x7f: {  	_ =	shalt  }
0x80: {  	_ =	shalt  }
0x81: {  	_ =	shalt  }
0x82: {  	_ =	shalt  }
0x83: {  	_ =	shalt  }
0x84: {  	_ =	shalt  }
0x85: {  	_ =	shalt  }
0x86: {  	_ =	shalt  }
0x87: {  	_ =	shalt  }
.Lfunc_end0:
.L_simem_size_0:
called_computation.1_lowered:
.L_overlay_start_0:
0x88: {  	s2 =	sld [smem:$0x3FD9]  }
0x89: {  	s3 =	sld [smem:$0x3FFE];
	_ =	sdelay $0x1  }
0x8a: {  	s1 =	srdreg.scid  }
0x8b: {  	s0 =	sand.u32 $0x1, s1  }
0x8c: {  	s17 =	sshll.u32 s0, $0xA;
	s2 =	sadd.s32 s3, s2  }
0x8d: {  	s2 =	sadd.s32 s2, s17  }
0x8e: {  	[smem:$0x3FC6] =	sst s2  }
0x8f: {  	_ = 	snop  }
0x90: {  	s2 =	sld [smem:$0x3FD0];
	(tm) =	ssettm $0x1  }
0x91: {  	s18 =	sld [smem:$0x3FFB];
	_ =	sdelay $0x3  }
0x92: {  	_ =	strace s18  }
0x93: {  	s3 =	sld [smem:$0x3FFC];
	_ =	sdelay $0x3  }
0x94: {  	_ =	strace s3  }
0x95: {  	s3 =	sld [smem:$0x3FFD];
	_ =	sdelay $0x3  }
0x96: {  	_ =	strace s3  }
0x97: {  	_ =	strace $0x8FFFFFFF  }
0x98: {  	s19 =	sld [smem:$0x3FDB];
	_ =	sdelay $0x1  }
0x99: {  	s4 =	simm.s32 $_scs_section_size  }
0x9a: {  	s5 =	simm.s32 $_size__tile_overlayer_lowered;
	s6 =	simm.s32 $_tile_overlayer_lowered  }
0x9b: {  	s22 =	simm.s32 $0x1BFF;
	s21 =	sshll.u32 s6, $0x1;
	s3 =	sadd.s32 s4, s19  }
0x9c: {  	s7 =	simm.s32 $0x0;
	s20 =	sshll.u32 s5, $0x1;
	s5 =	sadd.s32 s21, s3  }
0x9d: {  	[timem:s7], [sflag:s22] =	dma.local [hbm:s5], s20  }
0x9e: {  	_ =	swait.ge [sflag:s22], s20  }
0x9f: {  	s4 =	ssub.s32 $0x0, s20;
	[sflag:s22] =	ssyncset.done $0x0  }
0xa0: {  	[sflag:s22] =	ssyncadd.s32 s4;
	_ =	sdelay $0x1  }
0xa1: {  	s23 =	simm.s32 $0x1B8B  }
0xa2: {  	_ =	swait.ge [sflag:s23], $0x1  }
0xa3: {  	[sflag:s23] =	ssyncset.done $0x0  }
0xa4: {  	s25 =	simm.s32 $0x1B8E;
	s24 =	sld [smem:$0x3FFE];
	[sflag:s23] =	ssyncadd.s32 $0xFFFFFFFF  }
0xa5: {  	s26 =	simm.s32 $execute0_lowered;
	[smem:$0x3FD2] =	sst s25  }
0xa6: {  	s5 =	sshll.u32 s26, $0x1;
	_ =	strace $0x80000049;
	[dreg:$0x1] =	wrdreg $0xFFFFFFFF  }
0xa7: {  	s28 =	simm.s32 $_size_execute0_lowered;
	s3 =	sadd.s32 s3, s5;
	[dreg:$0x0] =	wrdreg $0x0  }
0xa8: {  	s5 =	sshll.u32 s28, $0x1;
	[dreg:$0x2] =	wrdreg s3  }
0xa9: {  	[dreg:$0x3] =	wrdreg s5  }
0xaa: {  	[dreg:$0x4] =	wrdreg $0xC0  }
0xab: {  	_ =	task [dreg:s7], $0x5FFFF  }
0xac: {  	[dreg:$0x1] =	wrdreg $0xFFFFFFFF  }
0xad: {  	[dreg:$0x0] =	wrdreg $0x60  }
0xae: {  	[dreg:$0x2] =	wrdreg s24  }
0xaf: {  	[dreg:$0x3] =	wrdreg s2  }
0xb0: {  	[dreg:$0x4] =	wrdreg $0x9  }
0xb1: {  	_ =	task.clear_ibuf [dreg:s7], $0x5FFFF;
	_ =	strace $0x90000049  }
0xb2: {  	s29 =	simm.s32 $0x9;
	_ =	strace $0x8000004B  }
0xb3: {  	_ =	swait.ge [sflag:s29], $0x1  }
0xb4: {  	[sflag:s29] =	ssyncadd.s32 $0xFFFFFFFF  }
0xb5: {  	_ =	strace $0x9000004B  }
0xb6: {  	_ =	sfence  }
0xb7: {  	s30 =	sld [smem:$0x0];
	_ =	sdelay $0x2  }
0xb8: {  	s31 =	sshll.u32 s1, $0xD;
	s1 =	sshrl.u32 s1, $0x2  }
0xb9: {  	s3 =	sand.u32 $0x4000, s31;
	s1 =	sadd.s32 s1, s30  }
0xba: {  	s0 =	sor.u32 s3, s0;
	s1 =	sshll.u32 s1, $0x11  }
0xbb: {  	s0 =	sor.u32 s1, s0  }
0xbc: {  	s0 =	sadd.s32 $0x8F2B, s0  }
0xbd: {  	[sflag:s0] =	ssyncadd.remote.s32 $0x1  }
0xbe: {  	_ =	sfence.sel $0xFFFF  }
0xbf: {  	[dreg:$0x0] =	wrdreg $0xFFFFFFFF;
	(pc) =	sbr.abs _section_cstart, $3  }
0xc0: {  	[dreg:$0x1] =	wrdreg $0xFFFFFFFF  }
0xc1: {  	_ =	task.clear_ibuf [dreg:s7], $0x2FFFF;
	_ =	strace $0x9FFFFFFF  }
0xc2: {  	(tm) =	ssettm $0x7FFFFFFF  }
0xc3: {  	_ =	shalt  }
tec
execute0_lowered:
.L_overlay_start_1:
0x0: {  	(tag) =	ssettag $0x1  }
0x1: {  	s1 =	srdreg.scid;
	s3 =	rddreg [dreg:$0x0]  }
0x2: {  	s0 =	stileid.u32;
	s5 =	rddreg [dreg:$0x1]  }
0x3: {  	s2 =	simm.s32 $0x0;
	s9 =	simm.s32 $0x1;
	s10 =	simm.s32 $0x200  }
0x4: {  	s11 =	simm.s32 $0x400;
	s12 =	simm.s32 $0x0;
	s4 =	sand.u32 $0x1, s1  }
0x5: {  	s6 =	sshll.u32 s0, $0xA;
	s1 =	rddreg [dreg:$0x2];
	s7 =	sshll.u32 s4, $0x9  }
0x6: {  	[smem:$0x7FF] =	sst s2;
	s4 =	ssub.s32 $0x2, s4;
	s6 =	sor.u32 s7, s6  }
0x7: {  	_ =	strace $0x8000004A;
	s31 =	sshrl.u32 s4, $0x1;
	s7 =	sshrl.u32 s6, $0x2  }
0x8: {  	s8 =	ssub.s32 s4, s31;
	s6 =	sshrl.u32 s6, $0x3;
	s7 =	sadd.s32 s7, s3  }
0x9: {  	s5 =	sadd.s32 s5, s6;
	s6 =	smax.u32 s8, $0x1;
	s8 =	simm.s32 $0x100  }
0xa: {  	s3 =	sadd.s32 $0x2600, s7;
	s4 =	sadd.s32 $0x2610, s7;
	s7 =	simm.s32 $0x80  }
.LBB2_1:
0xb: {  	[tilespmem:s2], [sflag:$0x1] =	stream.strided.gather [hbm4b:s3+s7], $0x200, s8, s7, $0x38;
	[tilespmem:$0x600] =	vst v63  }
0xc: {  	_ =	swait.ge [sflag:s9], $0x200  }
0xd: {  	[sflag:s9] =	ssyncset.done $0x0  }
0xe: {  	[sflag:s9] =	ssyncadd.s32 $0xFFFFFE00  }
0xf: {  	[tilespmem:s10], [sflag:$0x1] =	stream.strided.gather [hbm4b:s4+s7], $0x200, s8, s7, $0x38;
	[tilespmem:$0x600] =	vst v63  }
0x10: {  	_ =	swait.ge [sflag:s9], $0x200  }
0x11: {  	[sflag:s9] =	ssyncset.done $0x0  }
0x12: {  	s14 =	simm.s32 $0x0;
	[sflag:s9] =	ssyncadd.s32 $0xFFFFFE00  }
0x13: {  	v0 =	vld [tilespmem:s14+$0x0]  }
0x14: {  	v1 =	vld [tilespmem:s14+$0x200];
	_ =	sdelay $0x3  }
0x15: {  	s13 =	simm.s32 $0x10  }
0x16: {  	v3 =	vld [tilespmem:s13+$0x0];
	v0 =	vadd.f32 v1, v0  }
0x17: {  	v1 =	vld [tilespmem:s13+$0x200]  }
0x18: {  	v2 =	vadd.f32 $9.999999960e-13, v0;
	_ =	sdelay $0x1  }
0x19: {  	s15 =	simm.s32 $0x20;
	v0 =	vshra.s32 v2, $0x1;
	v4 =	vmul.f32 $5.000000000e-01, v2  }
0x1a: {  	v6 =	vld [tilespmem:s15+$0x0];
	v5 =	vsub.s32 $0x5F3759DF, v0  }
0x1b: {  	v0 =	vadd.f32 v1, v3;
	v3 =	vld [tilespmem:s15+$0x200];
	v1 =	vmul.f32 v5, v4;
	_ =	sdelay $0x1  }
0x1c: {  	v0 =	vadd.f32 $9.999999960e-13, v0;
	v1 =	vmul.f32 v5, v1;
	_ =	sdelay $0x1  }
0x1d: {  	s16 =	simm.s32 $0x30;
	v7 =	vshra.s32 v0, $0x1;
	v12 =	vmul.f32 $5.000000000e-01, v0;
	v1 =	vsub.f32 $1.500000000e+00, v1  }
0x1e: {  	v8 =	vld [tilespmem:s16+$0x0];
	v7 =	vsub.s32 $0x5F3759DF, v7;
	v3 =	vadd.f32 v3, v6  }
0x1f: {  	v10 =	vld [tilespmem:s16+$0x200];
	v6 =	vmul.f32 v7, v12;
	v9 =	vmul.f32 v5, v1  }
0x20: {  	v1 =	vadd.f32 $9.999999960e-13, v3  }
0x21: {  	v3 =	vmul.f32 v7, v6;
	v6 =	vmul.f32 v9, v4  }
0x22: {  	v11 =	vshra.s32 v1, $0x1;
	v5 =	vmul.f32 $5.000000000e-01, v1  }
0x23: {  	s17 =	simm.s32 $0x40;
	v3 =	vsub.f32 $1.500000000e+00, v3;
	v11 =	vsub.s32 $0x5F3759DF, v11;
	v6 =	vmul.f32 v6, v9  }
0x24: {  	v13 =	vld [tilespmem:s17+$0x0];
	v8 =	vadd.f32 v10, v8;
	v10 =	vmul.f32 v11, v5  }
0x25: {  	v15 =	vld [tilespmem:s17+$0x200];
	v14 =	vmul.f32 v7, v3;
	v6 =	vsub.f32 $1.500000000e+00, v6  }
0x26: {  	v3 =	vadd.f32 $9.999999960e-13, v8;
	v8 =	vmul.f32 v11, v10  }
0x27: {  	v10 =	vmul.f32 v14, v12;
	v7 =	vmul.f32 v6, v9  }
0x28: {  	v9 =	vshra.s32 v3, $0x1;
	v6 =	vmul.f32 $5.000000000e-01, v3;
	v8 =	vsub.f32 $1.500000000e+00, v8  }
0x29: {  	s18 =	simm.s32 $0x50;
	v19 =	vsub.s32 $0x5F3759DF, v9;
	v10 =	vmul.f32 v10, v14;
	v4 =	vmul.f32 v7, v4  }
0x2a: {  	v17 =	vld [tilespmem:s18+$0x0];
	v13 =	vadd.f32 v15, v13;
	v15 =	vmul.f32 v19, v6  }
0x2b: {  	v18 =	vld [tilespmem:s18+$0x200];
	v9 =	vmul.f32 v11, v8;
	v8 =	vsub.f32 $1.500000000e+00, v10;
	v10 =	vmul.f32 v4, v7  }
0x2c: {  	v4 =	vadd.f32 $9.999999960e-13, v13;
	v13 =	vmul.f32 v19, v15  }
0x2d: {  	v15 =	vmul.f32 v9, v5;
	v8 =	vmul.f32 v8, v14;
	v11 =	vsub.f32 $1.500000000e+00, v10  }
0x2e: {  	v14 =	vshra.s32 v4, $0x1;
	v10 =	vmul.f32 $5.000000000e-01, v4;
	v13 =	vsub.f32 $1.500000000e+00, v13  }
0x2f: {  	s19 =	simm.s32 $0x60;
	v15 =	vmul.f32 v15, v9;
	v16 =	vsub.s32 $0x5F3759DF, v14;
	v12 =	vmul.f32 v8, v12  }
0x30: {  	s20 =	simm.s32 $0x1C0;
	v18 =	vadd.f32 v18, v17;
	v14 =	vld [tilespmem:s19+$0x0];
	v17 =	vmul.f32 v16, v10;
	v13 =	vmul.f32 v19, v13  }
.LBB2_2:
0x31: {  	p0 =	sne.s32 s20, $0x7C0;
	v15 =	vsub.f32 $1.500000000e+00, v15;
	v12 =	vmul.f32 v12, v8;
	v20 =	vmul.f32 v11, v7;
	s21 =	smov.u32 s20  }
0x32: {  	v19 =	vld [tilespmem:s19+$0x200];
	v7 =	vmovc v8;
	v21 =	vmovc v6;
	v6 =	vmov v10;
	v22 =	vmov v16;
	v8 =	vmov v9;
	s20 =	sadd.s32 $0x40, s20;
	s22 =	smov.u32 s18;
	s18 =	smov.u32 s19  }
.Ltmp0:
0x33: {  	v18 =	vadd.f32 $9.999999960e-13, v18;
	v16 =	vmul.f32 v22, v17;
	v17 =	vmul.f32 v13, v21;
	v9 =	vmovc v13;
	(pc) =	sbr.rel @p0 .LBB2_2-.Ltmp0, $4  }
0x34: {  	v8 =	vmul.f32 v15, v8;
	v11 =	vsub.f32 $1.500000000e+00, v12;
	v13 =	vmul.f32 v20, v2;
	v2 =	vmovc v0;
	v0 =	vmovc v1  }
0x35: {  	v1 =	vmovc v3;
	v3 =	vmovc v4;
	v12 =	vshra.s32 v18, $0x1;
	v10 =	vmul.f32 $5.000000000e-01, v18;
	v20 =	vsub.f32 $1.500000000e+00, v16  }
0x36: {  	s19 =	sshra.s32 s21, $0x2;
	v15 =	vmul.f32 v17, v9;
	v4 =	vmovc v18;
	v16 =	vsub.s32 $0x5F3759DF, v12;
	v12 =	vmul.f32 v8, v5;
	[tilespmem:s14+$0x400] =	vst v13;
	s14 =	smov.u32 s13;
	s13 =	smov.u32 s15  }
0x37: {  	v5 =	vmovc v21;
	s15 =	smov.u32 s16;
	s16 =	smov.u32 s17;
	s17 =	smov.u32 s22;
	v18 =	vadd.f32 v19, v14;
	v14 =	vld [tilespmem:s19+$0x0];
	v17 =	vmul.f32 v16, v10;
	v13 =	vmul.f32 v22, v20  }
0x38: {  	v19 =	vld [tilespmem:s19+$0x200];
	_ =	sdelay $0x4  }
0x39: {  	v14 =	vadd.f32 v19, v14  }
0x3a: {  	v18 =	vadd.f32 $9.999999960e-13, v18  }
0x3b: {  	v14 =	vadd.f32 $9.999999960e-13, v14  }
0x3c: {  	v35 =	vshra.s32 v18, $0x1;
	v20 =	vmul.f32 $5.000000000e-01, v18  }
0x3d: {  	v19 =	vsub.s32 $0x5F3759DF, v35;
	v22 =	vshra.s32 v14, $0x1;
	v23 =	vmul.f32 $5.000000000e-01, v14  }
0x3e: {  	v21 =	vmul.f32 v19, v20;
	v22 =	vsub.s32 $0x5F3759DF, v22  }
0x3f: {  	v17 =	vmul.f32 v16, v17;
	v24 =	vmul.f32 v22, v23  }
0x40: {  	v21 =	vmul.f32 v19, v21  }
0x41: {  	v17 =	vsub.f32 $1.500000000e+00, v17;
	v24 =	vmul.f32 v22, v24  }
0x42: {  	v15 =	vsub.f32 $1.500000000e+00, v15;
	v7 =	vmul.f32 v11, v7;
	v21 =	vsub.f32 $1.500000000e+00, v21  }
0x43: {  	v37 =	vmul.f32 v13, v6;
	v36 =	vmul.f32 v16, v17;
	v38 =	vsub.f32 $1.500000000e+00, v24  }
0x44: {  	v9 =	vmul.f32 v15, v9;
	v19 =	vmul.f32 v19, v21  }
0x45: {  	v39 =	vmul.f32 v36, v10;
	v21 =	vmul.f32 v22, v38  }
0x46: {  	v17 =	vmul.f32 v37, v13;
	v40 =	vmul.f32 v19, v20  }
0x47: {  	v41 =	vmul.f32 v39, v36;
	v42 =	vmul.f32 v21, v23  }
0x48: {  	v12 =	vmul.f32 v12, v8;
	v17 =	vsub.f32 $1.500000000e+00, v17;
	v22 =	vmul.f32 v40, v19  }
0x49: {  	v5 =	vmul.f32 v9, v5;
	v43 =	vsub.f32 $1.500000000e+00, v41;
	v46 =	vmul.f32 v42, v21  }
0x4a: {  	v2 =	vmul.f32 v7, v2;
	v44 =	vmul.f32 v17, v13;
	v45 =	vsub.f32 $1.500000000e+00, v22  }
0x4b: {  	v5 =	vmul.f32 v5, v9;
	v7 =	vmul.f32 v43, v36;
	v15 =	vsub.f32 $1.500000000e+00, v46  }
0x4c: {  	v47 =	vmul.f32 v44, v6;
	v13 =	vmul.f32 v45, v19  }
0x4d: {  	v48 =	vmul.f32 v7, v10;
	v15 =	vmul.f32 v15, v21  }
0x4e: {  	v12 =	vsub.f32 $1.500000000e+00, v12;
	v6 =	vmul.f32 v47, v44;
	v49 =	vmul.f32 v13, v20  }
0x4f: {  	v5 =	vsub.f32 $1.500000000e+00, v5;
	v10 =	vmul.f32 v48, v7;
	v50 =	vmul.f32 v15, v23  }
0x50: {  	v51 =	vmul.f32 v12, v8;
	v6 =	vsub.f32 $1.500000000e+00, v6;
	v52 =	vmul.f32 v49, v13  }
0x51: {  	v5 =	vmul.f32 v5, v9;
	v53 =	vsub.f32 $1.500000000e+00, v10;
	v54 =	vmul.f32 v50, v15  }
0x52: {  	v0 =	vmul.f32 v51, v0;
	v6 =	vmul.f32 v6, v44;
	v55 =	vsub.f32 $1.500000000e+00, v52  }
0x53: {  	[tilespmem:s14+$0x400] =	vst v2;
	v1 =	vmul.f32 v5, v1;
	v56 =	vmul.f32 v53, v7;
	v57 =	vsub.f32 $1.500000000e+00, v54  }
0x54: {  	[tilespmem:s13+$0x400] =	vst v0;
	v58 =	vmul.f32 v6, v3;
	v59 =	vmul.f32 v55, v13  }
0x55: {  	[tilespmem:s15+$0x400] =	vst v1;
	v60 =	vmul.f32 v56, v4;
	v61 =	vmul.f32 v57, v15  }
0x56: {  	[tilespmem:s16+$0x400] =	vst v58;
	v62 =	vmul.f32 v59, v18  }
0x57: {  	s12 =	sadd.s32 $0x1, s12;
	[tilespmem:s17+$0x400] =	vst v60;
	v63 =	vmul.f32 v61, v14  }
0x58: {  	p0 =	sne.s32 s12, s6;
	[tilespmem:s18+$0x400] =	vst v62  }
.Ltmp1:
0x59: {  	[tilespmem:s19+$0x400] =	vst v63;
	(pc) =	sbr.rel @p0 .LBB2_1-.Ltmp1, $4  }
0x5a: {  	[hbm4b:s5+s2] =	stream.linear.scatter [tilespmem:s11], [sflag:$0x1], $0x200, $0x38;
	[tilespmem:$0x600] =	vst v63  }
0x5b: {  	_ =	swait.ge [sflag:s9], $0x200  }
0x5c: {  	[sflag:s9] =	ssyncset.done $0x0  }
0x5d: {  	[sflag:s9] =	ssyncadd.s32 $0xFFFFFE00  }
0x5e: {  	_ =	sfence.sel $0x180000  }
0x5f: {  	[bflag:$0x0] =	sbarrier.arrive $0xFFFF  }
0x60: {  	p0 =	sne.s32 s0, $0x0;
	_ =	strace $0x9000004A  }
0x61: {  	s0 =	sadd.s32 @!p0 $0x100000, s1;
	[bflag:$0x2] =	sbarrier.arrive $0xFFFF  }
0x62: {  	[sflag:s0] =	ssyncadd.tile.s32 @!p0 $0x1;
	_ =	shalt  }
.Lfunc_end2:
_tile_overlayer_lowered:
.L_overlay_start_2:
0x63: {  	(tag) =	ssettag $0x2  }
0x64: {  	s0 =	rddreg [dreg:$0x0];
	s2 =	stileid.u32  }
0x65: {  	s1 =	rddreg [dreg:$0x1];
	p0 =	sne.s32 s2, $0x0  }
0x66: {  	s3 =	rddreg [dreg:$0x2];
	[bflag:$0x3] =	sbarrier.arrive $0xFFFF;
	s2 =	simm.s32 @!p0 $0x1C01  }
0x67: {  	[timem:s3], [sflag:s2] =	dma.local @!p0 [hbm:s0], s1  }
0x68: {  	s0 =	simm.s32 @!p0 $0x1  }
0x69: {  	_ =	swait.ge @!p0 [sflag:s0], s1  }
0x6a: {  	s1 =	ssub.s32 @!p0 $0x0, s1;
	[sflag:s0] =	ssyncset.done @!p0 $0x0  }
0x6b: {  	[sflag:s0] =	ssyncadd.s32 @!p0 s1  }
0x6c: {  	[bflag:$0x3] =	sbarrier.arrive $0xFFFF  }
0x6d: {  	_ =	shalt  }

</sc_bundles>
